<compile_context>
chip_gen: v7x
topology: tpu7x:2x2x1
jax: 0.10.2.dev20260603
libtpu: 0.0.44.dev20260713+nightly
codegen_flags: <defaults>
</compile_context>

<pallas_src>
import functools

import jax
import jax.numpy as jnp
from jax import lax
from jax.experimental import pallas as pl
from jax.experimental.pallas import tpu as pltpu
from jax.experimental.pallas import tpu_sc as plsc

_NC = 2
_NS = 16
_NW = _NC * _NS
_D = 64
_B = 4
_SEQ = 2048
_V = 100000
_H0 = 51200
_H1A = 48768
_TAILW = 128
_TAIL0 = _V - _TAILW
_TOT = _B * _SEQ
_FPW = _D // _NW
_LANES = 16
_GROUPS = _TOT // _LANES
_UNROLL = 8


def _emb_body(x_hbm, tokT_hbm, posT_hbm, tailT_hbm, out_hbm,
              idx_v, feat_v, tail_v, pos_v, out_v, sem, xsem):
    c = lax.axis_index("c")
    s = lax.axis_index("s")
    wid = s * _NC + c
    lane_iota = lax.iota(jnp.int32, _LANES)
    stages = [(j, h) for j in range(_FPW) for h in range(2)]

    def half_dma(stage):
        j, h = stages[stage]
        row = tokT_hbm.at[wid * _FPW + j]
        if h == 0:
            return [
                pltpu.async_copy(row.at[pl.ds(0, _H0)], feat_v.at[pl.ds(0, _H0)], sem),
            ]
        return [
            pltpu.async_copy(row.at[pl.ds(_H0, _H1A)], feat_v.at[pl.ds(_H0, _H1A)], sem),
            pltpu.async_copy(tailT_hbm.at[wid * _FPW + j], tail_v, sem),
        ]

    cps = half_dma(0)
    for j in range(_FPW):
        pltpu.sync_copy(posT_hbm.at[wid * _FPW + j], pos_v.at[pl.ds(j * _SEQ, _SEQ)])
    for b in range(_B):
        pltpu.sync_copy(x_hbm.at[b], idx_v.at[pl.ds(b * _SEQ, _SEQ)])

    out_cps = []
    for stage, (j, h) in enumerate(stages):
        for cp in cps:
            cp.wait()
        if stage + 1 < len(stages):
            cps = half_dma(stage + 1)
        if h == 1:
            for t in range(_TAILW // _LANES):
                feat_v[pl.ds(_TAIL0 + t * _LANES, _LANES)] = tail_v[pl.ds(t * _LANES, _LANES)]

        def body(g, carry):
            p0 = lax.rem(g * (_LANES * _UNROLL), _SEQ)
            offs = [g * (_LANES * _UNROLL) + u * _LANES for u in range(_UNROLL)]
            vecs = [idx_v[pl.ds(off, _LANES)] for off in offs]
            if h == 0:
                ms = [vec < _H0 for vec in vecs]
            else:
                ms = [vec >= _H0 for vec in vecs]
            vals = [
                plsc.load_gather(feat_v, [vec], mask=m)
                for vec, m in zip(vecs, ms)
            ]
            pvs = [pos_v[pl.ds(j * _SEQ + p0 + u * _LANES, _LANES)] for u in range(_UNROLL)]
            if h == 0:
                for u in range(_UNROLL):
                    out_v[pl.ds(j * _TOT + offs[u], _LANES)] = vals[u] + pvs[u]
            else:
                for u in range(_UNROLL):
                    plsc.store_scatter(
                        out_v, [lane_iota + (j * _TOT + offs[u])], vals[u] + pvs[u], mask=ms[u]
                    )
            return carry

        lax.fori_loop(0, _GROUPS // _UNROLL, body, 0)

        if h == 1:
            f = wid * _FPW + j
            out_cps += [
                pltpu.async_copy(
                    out_v.at[pl.ds(j * _TOT + b * _SEQ, _SEQ)], out_hbm.at[b, f], xsem
                )
                for b in range(_B)
            ]
    for cp in out_cps:
        cp.wait()


@jax.jit
def kernel(x, token_table, pos_table):
    mesh = plsc.VectorSubcoreMesh(core_axis_name="c", subcore_axis_name="s")
    f = pl.kernel(
        _emb_body,
        out_type=jax.ShapeDtypeStruct((_B, _D, _SEQ), jnp.float32),
        mesh=mesh,
        scratch_types=[
            pltpu.VMEM((_TOT,), jnp.int32),
            pltpu.VMEM((_V,), jnp.float32),
            pltpu.VMEM((_TAILW,), jnp.float32),
            pltpu.VMEM((_FPW * _SEQ,), jnp.float32),
            pltpu.VMEM((_FPW * _TOT,), jnp.float32),
            pltpu.SemaphoreType.DMA,
            pltpu.SemaphoreType.DMA,
        ],
        compiler_params=pltpu.CompilerParams(needs_layout_passes=False),
    )
    tokT = token_table.T
    tailT = lax.slice(tokT, (0, _TAIL0), (_D, _V))
    out = f(x, tokT, pos_table.T, tailT)
    return out.transpose(0, 2, 1)

# --- scband reference (transcript-rebuilt; emitter-appended) ---
"""Pipeline reference for scband-token-and-postional-embedding-42537356100363 (READ-ONLY COPY).

The authoritative reference and input builder live on the scoring server;
editing this copy changes nothing except your own understanding.
"""

import jax, jax.numpy as jnp
import numpy as np

VOCAB_SIZE = 100000
N_EMBD = 64
BLOCK_SIZE = 2048
BATCH = 4
SEQ_LEN = 2048


def setup_inputs(seed: int = 0) -> dict:
    key = jax.random.key(seed)
    k_x, k_tok, k_pos = jax.random.split(key, 3)
    x = jax.random.randint(k_x, (BATCH, SEQ_LEN), 0, VOCAB_SIZE, dtype=jnp.int64 if jax.config.jax_enable_x64 else jnp.int32)
    # Learned parameters: token embedding table and positional embedding table
    token_table = jax.random.normal(k_tok, (VOCAB_SIZE, N_EMBD), dtype=jnp.float32)
    pos_table = jax.random.normal(k_pos, (BLOCK_SIZE, N_EMBD), dtype=jnp.float32)
    return {"x": x, "token_table": token_table, "pos_table": pos_table}


def reference(x, token_table, pos_table):
    # Faithful translation of TokenAndPostionalEmbedding.__call__:
    #   tok = token_embed(x); pos = pos_emb(arange(maxlen)); return tok + pos
    maxlen = x.shape[-1]
    tok = jnp.take(token_table, x, axis=0)          # [B, S, n_embd] gather
    positions = jnp.arange(0, maxlen, 1)
    pos = jnp.take(pos_table, positions, axis=0)    # [S, n_embd] gather
    return tok + pos                                 # broadcast add over batch

if __name__ == "__main__":
    import jax
    _d = setup_inputs()
    print(jax.jit(kernel)(*tuple(_d.values())))

</pallas_src>

<mosaic_0001>
#map = affine_map<(d0, d1) -> (0, 0)>
#map1 = affine_map<(d0, d1) -> (0, 0, 0)>
module attributes {stable_mosaic.version = 14 : i64} {
  func.func @_emb_body(%arg0: i32, %arg1: i32, %arg2: memref<4x2048xi32, #tpu.memory_space<hbm>>, %arg3: memref<64x100000xf32, #tpu.memory_space<hbm>>, %arg4: memref<64x2048xf32, #tpu.memory_space<hbm>>, %arg5: memref<64x128xf32, #tpu.memory_space<hbm>>, %arg6: memref<4x64x2048xf32, #tpu.memory_space<hbm>>, %arg7: memref<8192xi32, #tpu.memory_space<vmem>>, %arg8: memref<100000xf32, #tpu.memory_space<vmem>>, %arg9: memref<128xf32, #tpu.memory_space<vmem>>, %arg10: memref<4096xf32, #tpu.memory_space<vmem>>, %arg11: memref<16384xf32, #tpu.memory_space<vmem>>, %arg12: memref<!tpu.dma_semaphore, #tpu.memory_space<semaphore_mem>>, %arg13: memref<!tpu.dma_semaphore, #tpu.memory_space<semaphore_mem>>) attributes {dimension_semantics = [#tpu.dimension_semantics<core_parallel>, #tpu.dimension_semantics<subcore_parallel>], iteration_bounds = array<i64: 2, 16>, scalar_prefetch = 0 : i64, scratch_operands = 7 : i64, tpu.core_type = #tpu.core_type<sc_vector_subcore>, window_params = [{transform_indices = #map}, {transform_indices = #map}, {transform_indices = #map}, {transform_indices = #map}, {transform_indices = #map1}]} {
    %mul3A = arith.constant 2 : i32
    %mul3A_0 = arith.muli %arg1, %mul3A : i32
    %add3A = arith.addi %mul3A_0, %arg0 : i32
    %iota3A = tpu.iota {dimensions = array<i32: 0>} : vector<16xi32>
    %mul3A_1 = arith.constant 2 : i32
    %mul3A_2 = arith.muli %add3A, %mul3A_1 : i32
    %add3A_3 = arith.constant 0 : i32
    %add3A_4 = arith.addi %mul3A_2, %add3A_3 : i32
    %dma_start3A = arith.constant 0 : i32
    %dma_start3A_5 = tpu.memref_slice %arg8[%dma_start3A] : memref<100000xf32, #tpu.memory_space<vmem>> -> memref<51200xf32, #tpu.memory_space<vmem>>
    %dma_start3A_6 = arith.constant 0 : i32
    %dma_start3A_7 = tpu.memref_slice %arg3[%add3A_4, %dma_start3A_6] : memref<64x100000xf32, #tpu.memory_space<hbm>> -> memref<1x100000xf32, #tpu.memory_space<hbm>>
    %dma_start3A_8 = tpu.memref_squeeze %dma_start3A_7 : memref<1x100000xf32, #tpu.memory_space<hbm>> -> memref<100000xf32, #tpu.memory_space<hbm>>
    %dma_start3A_9 = arith.constant 0 : i32
    %dma_start3A_10 = tpu.memref_slice %dma_start3A_8[%dma_start3A_9] : memref<100000xf32, #tpu.memory_space<hbm>> -> memref<51200xf32, #tpu.memory_space<hbm>>
    %dma_start3A_11 = arith.constant 0 : i32
    %dma_start3A_12 = tpu.memref_slice %arg8[%dma_start3A_11] : memref<100000xf32, #tpu.memory_space<vmem>> -> memref<51200xf32, #tpu.memory_space<vmem>>
    %dma_start3A_13 = arith.constant 0 : i32
    %dma_start3A_14 = tpu.memref_slice %arg3[%add3A_4, %dma_start3A_13] : memref<64x100000xf32, #tpu.memory_space<hbm>> -> memref<1x100000xf32, #tpu.memory_space<hbm>>
    %dma_start3A_15 = tpu.memref_squeeze %dma_start3A_14 : memref<1x100000xf32, #tpu.memory_space<hbm>> -> memref<100000xf32, #tpu.memory_space<hbm>>
    %dma_start3A_16 = arith.constant 0 : i32
    %dma_start3A_17 = tpu.memref_slice %dma_start3A_15[%dma_start3A_16] : memref<100000xf32, #tpu.memory_space<hbm>> -> memref<51200xf32, #tpu.memory_space<hbm>>
    tpu.enqueue_dma source(%dma_start3A_17 : memref<51200xf32, #tpu.memory_space<hbm>>) target(%dma_start3A_12 : memref<51200xf32, #tpu.memory_space<vmem>>) target_semaphore(%arg12 : memref<!tpu.dma_semaphore, #tpu.memory_space<semaphore_mem>>)
    %mul3A_18 = arith.constant 2 : i32
    %mul3A_19 = arith.muli %add3A, %mul3A_18 : i32
    %add3A_20 = arith.constant 0 : i32
    %add3A_21 = arith.addi %mul3A_19, %add3A_20 : i32
    "tpu.region"() ({
      %run_scoped3A_439 = tpu.sem_alloc : memref<!tpu.dma_semaphore, #tpu.memory_space<semaphore_mem>>
      %dma_start3A_440 = arith.constant 0 : i32
      %dma_start3A_441 = tpu.memref_slice %arg10[%dma_start3A_440] : memref<4096xf32, #tpu.memory_space<vmem>> -> memref<2048xf32, #tpu.memory_space<vmem>>
      %dma_start3A_442 = arith.constant 0 : i32
      %dma_start3A_443 = tpu.memref_slice %arg4[%add3A_21, %dma_start3A_442] : memref<64x2048xf32, #tpu.memory_space<hbm>> -> memref<1x2048xf32, #tpu.memory_space<hbm>>
      %dma_start3A_444 = tpu.memref_squeeze %dma_start3A_443 : memref<1x2048xf32, #tpu.memory_space<hbm>> -> memref<2048xf32, #tpu.memory_space<hbm>>
      %dma_start3A_445 = arith.constant 0 : i32
      %dma_start3A_446 = tpu.memref_slice %arg10[%dma_start3A_445] : memref<4096xf32, #tpu.memory_space<vmem>> -> memref<2048xf32, #tpu.memory_space<vmem>>
      %dma_start3A_447 = arith.constant 0 : i32
      %dma_start3A_448 = tpu.memref_slice %arg4[%add3A_21, %dma_start3A_447] : memref<64x2048xf32, #tpu.memory_space<hbm>> -> memref<1x2048xf32, #tpu.memory_space<hbm>>
      %dma_start3A_449 = tpu.memref_squeeze %dma_start3A_448 : memref<1x2048xf32, #tpu.memory_space<hbm>> -> memref<2048xf32, #tpu.memory_space<hbm>>
      tpu.enqueue_dma source(%dma_start3A_449 : memref<2048xf32, #tpu.memory_space<hbm>>) target(%dma_start3A_446 : memref<2048xf32, #tpu.memory_space<vmem>>) target_semaphore(%run_scoped3A_439 : memref<!tpu.dma_semaphore, #tpu.memory_space<semaphore_mem>>)
      %dma_wait3A_450 = arith.constant 0 : i32
      %dma_wait3A_451 = tpu.memref_slice %arg10[%dma_wait3A_450] : memref<4096xf32, #tpu.memory_space<vmem>> -> memref<2048xf32, #tpu.memory_space<vmem>>
      %dma_wait3A_452 = arith.constant 0 : i32
      %dma_wait3A_453 = tpu.memref_slice %arg4[%add3A_21, %dma_wait3A_452] : memref<64x2048xf32, #tpu.memory_space<hbm>> -> memref<1x2048xf32, #tpu.memory_space<hbm>>
      %dma_wait3A_454 = tpu.memref_squeeze %dma_wait3A_453 : memref<1x2048xf32, #tpu.memory_space<hbm>> -> memref<2048xf32, #tpu.memory_space<hbm>>
      %dma_wait3A_455 = arith.constant 0 : i32
      %dma_wait3A_456 = tpu.memref_slice %arg10[%dma_wait3A_455] : memref<4096xf32, #tpu.memory_space<vmem>> -> memref<2048xf32, #tpu.memory_space<vmem>>
      %dma_wait3A_457 = arith.constant 0 : i32
      %dma_wait3A_458 = tpu.memref_slice %arg4[%add3A_21, %dma_wait3A_457] : memref<64x2048xf32, #tpu.memory_space<hbm>> -> memref<1x2048xf32, #tpu.memory_space<hbm>>
      %dma_wait3A_459 = tpu.memref_squeeze %dma_wait3A_458 : memref<1x2048xf32, #tpu.memory_space<hbm>> -> memref<2048xf32, #tpu.memory_space<hbm>>
      tpu.wait_dma2 semaphore(%run_scoped3A_439 : memref<!tpu.dma_semaphore, #tpu.memory_space<semaphore_mem>>) src(%dma_wait3A_459 : memref<2048xf32, #tpu.memory_space<hbm>>) dst(%dma_wait3A_456 : memref<2048xf32, #tpu.memory_space<vmem>>)
      tpu.yield
    }) : () -> ()
    %mul3A_22 = arith.constant 2 : i32
    %mul3A_23 = arith.muli %add3A, %mul3A_22 : i32
    %add3A_24 = arith.constant 1 : i32
    %add3A_25 = arith.addi %mul3A_23, %add3A_24 : i32
    "tpu.region"() ({
      %run_scoped3A_439 = tpu.sem_alloc : memref<!tpu.dma_semaphore, #tpu.memory_space<semaphore_mem>>
      %dma_start3A_440 = arith.constant 2048 : i32
      %dma_start3A_441 = tpu.memref_slice %arg10[%dma_start3A_440] : memref<4096xf32, #tpu.memory_space<vmem>> -> memref<2048xf32, #tpu.memory_space<vmem>>
      %dma_start3A_442 = arith.constant 0 : i32
      %dma_start3A_443 = tpu.memref_slice %arg4[%add3A_25, %dma_start3A_442] : memref<64x2048xf32, #tpu.memory_space<hbm>> -> memref<1x2048xf32, #tpu.memory_space<hbm>>
      %dma_start3A_444 = tpu.memref_squeeze %dma_start3A_443 : memref<1x2048xf32, #tpu.memory_space<hbm>> -> memref<2048xf32, #tpu.memory_space<hbm>>
      %dma_start3A_445 = arith.constant 2048 : i32
      %dma_start3A_446 = tpu.memref_slice %arg10[%dma_start3A_445] : memref<4096xf32, #tpu.memory_space<vmem>> -> memref<2048xf32, #tpu.memory_space<vmem>>
      %dma_start3A_447 = arith.constant 0 : i32
      %dma_start3A_448 = tpu.memref_slice %arg4[%add3A_25, %dma_start3A_447] : memref<64x2048xf32, #tpu.memory_space<hbm>> -> memref<1x2048xf32, #tpu.memory_space<hbm>>
      %dma_start3A_449 = tpu.memref_squeeze %dma_start3A_448 : memref<1x2048xf32, #tpu.memory_space<hbm>> -> memref<2048xf32, #tpu.memory_space<hbm>>
      tpu.enqueue_dma source(%dma_start3A_449 : memref<2048xf32, #tpu.memory_space<hbm>>) target(%dma_start3A_446 : memref<2048xf32, #tpu.memory_space<vmem>>) target_semaphore(%run_scoped3A_439 : memref<!tpu.dma_semaphore, #tpu.memory_space<semaphore_mem>>)
      %dma_wait3A_450 = arith.constant 2048 : i32
      %dma_wait3A_451 = tpu.memref_slice %arg10[%dma_wait3A_450] : memref<4096xf32, #tpu.memory_space<vmem>> -> memref<2048xf32, #tpu.memory_space<vmem>>
      %dma_wait3A_452 = arith.constant 0 : i32
      %dma_wait3A_453 = tpu.memref_slice %arg4[%add3A_25, %dma_wait3A_452] : memref<64x2048xf32, #tpu.memory_space<hbm>> -> memref<1x2048xf32, #tpu.memory_space<hbm>>
      %dma_wait3A_454 = tpu.memref_squeeze %dma_wait3A_453 : memref<1x2048xf32, #tpu.memory_space<hbm>> -> memref<2048xf32, #tpu.memory_space<hbm>>
      %dma_wait3A_455 = arith.constant 2048 : i32
      %dma_wait3A_456 = tpu.memref_slice %arg10[%dma_wait3A_455] : memref<4096xf32, #tpu.memory_space<vmem>> -> memref<2048xf32, #tpu.memory_space<vmem>>
      %dma_wait3A_457 = arith.constant 0 : i32
      %dma_wait3A_458 = tpu.memref_slice %arg4[%add3A_25, %dma_wait3A_457] : memref<64x2048xf32, #tpu.memory_space<hbm>> -> memref<1x2048xf32, #tpu.memory_space<hbm>>
      %dma_wait3A_459 = tpu.memref_squeeze %dma_wait3A_458 : memref<1x2048xf32, #tpu.memory_space<hbm>> -> memref<2048xf32, #tpu.memory_space<hbm>>
      tpu.wait_dma2 semaphore(%run_scoped3A_439 : memref<!tpu.dma_semaphore, #tpu.memory_space<semaphore_mem>>) src(%dma_wait3A_459 : memref<2048xf32, #tpu.memory_space<hbm>>) dst(%dma_wait3A_456 : memref<2048xf32, #tpu.memory_space<vmem>>)
      tpu.yield
    }) : () -> ()
    %run_scoped3A = arith.constant 0 : i32
    "tpu.region"() ({
      %run_scoped3A_439 = tpu.sem_alloc : memref<!tpu.dma_semaphore, #tpu.memory_space<semaphore_mem>>
      %dma_start3A_440 = arith.constant 0 : i32
      %dma_start3A_441 = tpu.memref_slice %arg7[%dma_start3A_440] : memref<8192xi32, #tpu.memory_space<vmem>> -> memref<2048xi32, #tpu.memory_space<vmem>>
      %dma_start3A_442 = arith.constant 0 : i32
      %dma_start3A_443 = tpu.memref_slice %arg2[%run_scoped3A, %dma_start3A_442] : memref<4x2048xi32, #tpu.memory_space<hbm>> -> memref<1x2048xi32, #tpu.memory_space<hbm>>
      %dma_start3A_444 = tpu.memref_squeeze %dma_start3A_443 : memref<1x2048xi32, #tpu.memory_space<hbm>> -> memref<2048xi32, #tpu.memory_space<hbm>>
      %dma_start3A_445 = arith.constant 0 : i32
      %dma_start3A_446 = tpu.memref_slice %arg7[%dma_start3A_445] : memref<8192xi32, #tpu.memory_space<vmem>> -> memref<2048xi32, #tpu.memory_space<vmem>>
      %dma_start3A_447 = arith.constant 0 : i32
      %dma_start3A_448 = tpu.memref_slice %arg2[%run_scoped3A, %dma_start3A_447] : memref<4x2048xi32, #tpu.memory_space<hbm>> -> memref<1x2048xi32, #tpu.memory_space<hbm>>
      %dma_start3A_449 = tpu.memref_squeeze %dma_start3A_448 : memref<1x2048xi32, #tpu.memory_space<hbm>> -> memref<2048xi32, #tpu.memory_space<hbm>>
      tpu.enqueue_dma source(%dma_start3A_449 : memref<2048xi32, #tpu.memory_space<hbm>>) target(%dma_start3A_446 : memref<2048xi32, #tpu.memory_space<vmem>>) target_semaphore(%run_scoped3A_439 : memref<!tpu.dma_semaphore, #tpu.memory_space<semaphore_mem>>)
      %dma_wait3A_450 = arith.constant 0 : i32
      %dma_wait3A_451 = tpu.memref_slice %arg7[%dma_wait3A_450] : memref<8192xi32, #tpu.memory_space<vmem>> -> memref<2048xi32, #tpu.memory_space<vmem>>
      %dma_wait3A_452 = arith.constant 0 : i32
      %dma_wait3A_453 = tpu.memref_slice %arg2[%run_scoped3A, %dma_wait3A_452] : memref<4x2048xi32, #tpu.memory_space<hbm>> -> memref<1x2048xi32, #tpu.memory_space<hbm>>
      %dma_wait3A_454 = tpu.memref_squeeze %dma_wait3A_453 : memref<1x2048xi32, #tpu.memory_space<hbm>> -> memref<2048xi32, #tpu.memory_space<hbm>>
      %dma_wait3A_455 = arith.constant 0 : i32
      %dma_wait3A_456 = tpu.memref_slice %arg7[%dma_wait3A_455] : memref<8192xi32, #tpu.memory_space<vmem>> -> memref<2048xi32, #tpu.memory_space<vmem>>
      %dma_wait3A_457 = arith.constant 0 : i32
      %dma_wait3A_458 = tpu.memref_slice %arg2[%run_scoped3A, %dma_wait3A_457] : memref<4x2048xi32, #tpu.memory_space<hbm>> -> memref<1x2048xi32, #tpu.memory_space<hbm>>
      %dma_wait3A_459 = tpu.memref_squeeze %dma_wait3A_458 : memref<1x2048xi32, #tpu.memory_space<hbm>> -> memref<2048xi32, #tpu.memory_space<hbm>>
      tpu.wait_dma2 semaphore(%run_scoped3A_439 : memref<!tpu.dma_semaphore, #tpu.memory_space<semaphore_mem>>) src(%dma_wait3A_459 : memref<2048xi32, #tpu.memory_space<hbm>>) dst(%dma_wait3A_456 : memref<2048xi32, #tpu.memory_space<vmem>>)
      tpu.yield
    }) : () -> ()
    %run_scoped3A_26 = arith.constant 1 : i32
    "tpu.region"() ({
      %run_scoped3A_439 = tpu.sem_alloc : memref<!tpu.dma_semaphore, #tpu.memory_space<semaphore_mem>>
      %dma_start3A_440 = arith.constant 2048 : i32
      %dma_start3A_441 = tpu.memref_slice %arg7[%dma_start3A_440] : memref<8192xi32, #tpu.memory_space<vmem>> -> memref<2048xi32, #tpu.memory_space<vmem>>
      %dma_start3A_442 = arith.constant 0 : i32
      %dma_start3A_443 = tpu.memref_slice %arg2[%run_scoped3A_26, %dma_start3A_442] : memref<4x2048xi32, #tpu.memory_space<hbm>> -> memref<1x2048xi32, #tpu.memory_space<hbm>>
      %dma_start3A_444 = tpu.memref_squeeze %dma_start3A_443 : memref<1x2048xi32, #tpu.memory_space<hbm>> -> memref<2048xi32, #tpu.memory_space<hbm>>
      %dma_start3A_445 = arith.constant 2048 : i32
      %dma_start3A_446 = tpu.memref_slice %arg7[%dma_start3A_445] : memref<8192xi32, #tpu.memory_space<vmem>> -> memref<2048xi32, #tpu.memory_space<vmem>>
      %dma_start3A_447 = arith.constant 0 : i32
      %dma_start3A_448 = tpu.memref_slice %arg2[%run_scoped3A_26, %dma_start3A_447] : memref<4x2048xi32, #tpu.memory_space<hbm>> -> memref<1x2048xi32, #tpu.memory_space<hbm>>
      %dma_start3A_449 = tpu.memref_squeeze %dma_start3A_448 : memref<1x2048xi32, #tpu.memory_space<hbm>> -> memref<2048xi32, #tpu.memory_space<hbm>>
      tpu.enqueue_dma source(%dma_start3A_449 : memref<2048xi32, #tpu.memory_space<hbm>>) target(%dma_start3A_446 : memref<2048xi32, #tpu.memory_space<vmem>>) target_semaphore(%run_scoped3A_439 : memref<!tpu.dma_semaphore, #tpu.memory_space<semaphore_mem>>)
      %dma_wait3A_450 = arith.constant 2048 : i32
      %dma_wait3A_451 = tpu.memref_slice %arg7[%dma_wait3A_450] : memref<8192xi32, #tpu.memory_space<vmem>> -> memref<2048xi32, #tpu.memory_space<vmem>>
      %dma_wait3A_452 = arith.constant 0 : i32
      %dma_wait3A_453 = tpu.memref_slice %arg2[%run_scoped3A_26, %dma_wait3A_452] : memref<4x2048xi32, #tpu.memory_space<hbm>> -> memref<1x2048xi32, #tpu.memory_space<hbm>>
      %dma_wait3A_454 = tpu.memref_squeeze %dma_wait3A_453 : memref<1x2048xi32, #tpu.memory_space<hbm>> -> memref<2048xi32, #tpu.memory_space<hbm>>
      %dma_wait3A_455 = arith.constant 2048 : i32
      %dma_wait3A_456 = tpu.memref_slice %arg7[%dma_wait3A_455] : memref<8192xi32, #tpu.memory_space<vmem>> -> memref<2048xi32, #tpu.memory_space<vmem>>
      %dma_wait3A_457 = arith.constant 0 : i32
      %dma_wait3A_458 = tpu.memref_slice %arg2[%run_scoped3A_26, %dma_wait3A_457] : memref<4x2048xi32, #tpu.memory_space<hbm>> -> memref<1x2048xi32, #tpu.memory_space<hbm>>
      %dma_wait3A_459 = tpu.memref_squeeze %dma_wait3A_458 : memref<1x2048xi32, #tpu.memory_space<hbm>> -> memref<2048xi32, #tpu.memory_space<hbm>>
      tpu.wait_dma2 semaphore(%run_scoped3A_439 : memref<!tpu.dma_semaphore, #tpu.memory_space<semaphore_mem>>) src(%dma_wait3A_459 : memref<2048xi32, #tpu.memory_space<hbm>>) dst(%dma_wait3A_456 : memref<2048xi32, #tpu.memory_space<vmem>>)
      tpu.yield
    }) : () -> ()
    %run_scoped3A_27 = arith.constant 2 : i32
    "tpu.region"() ({
      %run_scoped3A_439 = tpu.sem_alloc : memref<!tpu.dma_semaphore, #tpu.memory_space<semaphore_mem>>
      %dma_start3A_440 = arith.constant 4096 : i32
      %dma_start3A_441 = tpu.memref_slice %arg7[%dma_start3A_440] : memref<8192xi32, #tpu.memory_space<vmem>> -> memref<2048xi32, #tpu.memory_space<vmem>>
      %dma_start3A_442 = arith.constant 0 : i32
      %dma_start3A_443 = tpu.memref_slice %arg2[%run_scoped3A_27, %dma_start3A_442] : memref<4x2048xi32, #tpu.memory_space<hbm>> -> memref<1x2048xi32, #tpu.memory_space<hbm>>
      %dma_start3A_444 = tpu.memref_squeeze %dma_start3A_443 : memref<1x2048xi32, #tpu.memory_space<hbm>> -> memref<2048xi32, #tpu.memory_space<hbm>>
      %dma_start3A_445 = arith.constant 4096 : i32
      %dma_start3A_446 = tpu.memref_slice %arg7[%dma_start3A_445] : memref<8192xi32, #tpu.memory_space<vmem>> -> memref<2048xi32, #tpu.memory_space<vmem>>
      %dma_start3A_447 = arith.constant 0 : i32
      %dma_start3A_448 = tpu.memref_slice %arg2[%run_scoped3A_27, %dma_start3A_447] : memref<4x2048xi32, #tpu.memory_space<hbm>> -> memref<1x2048xi32, #tpu.memory_space<hbm>>
      %dma_start3A_449 = tpu.memref_squeeze %dma_start3A_448 : memref<1x2048xi32, #tpu.memory_space<hbm>> -> memref<2048xi32, #tpu.memory_space<hbm>>
      tpu.enqueue_dma source(%dma_start3A_449 : memref<2048xi32, #tpu.memory_space<hbm>>) target(%dma_start3A_446 : memref<2048xi32, #tpu.memory_space<vmem>>) target_semaphore(%run_scoped3A_439 : memref<!tpu.dma_semaphore, #tpu.memory_space<semaphore_mem>>)
      %dma_wait3A_450 = arith.constant 4096 : i32
      %dma_wait3A_451 = tpu.memref_slice %arg7[%dma_wait3A_450] : memref<8192xi32, #tpu.memory_space<vmem>> -> memref<2048xi32, #tpu.memory_space<vmem>>
      %dma_wait3A_452 = arith.constant 0 : i32
      %dma_wait3A_453 = tpu.memref_slice %arg2[%run_scoped3A_27, %dma_wait3A_452] : memref<4x2048xi32, #tpu.memory_space<hbm>> -> memref<1x2048xi32, #tpu.memory_space<hbm>>
      %dma_wait3A_454 = tpu.memref_squeeze %dma_wait3A_453 : memref<1x2048xi32, #tpu.memory_space<hbm>> -> memref<2048xi32, #tpu.memory_space<hbm>>
      %dma_wait3A_455 = arith.constant 4096 : i32
      %dma_wait3A_456 = tpu.memref_slice %arg7[%dma_wait3A_455] : memref<8192xi32, #tpu.memory_space<vmem>> -> memref<2048xi32, #tpu.memory_space<vmem>>
      %dma_wait3A_457 = arith.constant 0 : i32
      %dma_wait3A_458 = tpu.memref_slice %arg2[%run_scoped3A_27, %dma_wait3A_457] : memref<4x2048xi32, #tpu.memory_space<hbm>> -> memref<1x2048xi32, #tpu.memory_space<hbm>>
      %dma_wait3A_459 = tpu.memref_squeeze %dma_wait3A_458 : memref<1x2048xi32, #tpu.memory_space<hbm>> -> memref<2048xi32, #tpu.memory_space<hbm>>
      tpu.wait_dma2 semaphore(%run_scoped3A_439 : memref<!tpu.dma_semaphore, #tpu.memory_space<semaphore_mem>>) src(%dma_wait3A_459 : memref<2048xi32, #tpu.memory_space<hbm>>) dst(%dma_wait3A_456 : memref<2048xi32, #tpu.memory_space<vmem>>)
      tpu.yield
    }) : () -> ()
    %run_scoped3A_28 = arith.constant 3 : i32
    "tpu.region"() ({
      %run_scoped3A_439 = tpu.sem_alloc : memref<!tpu.dma_semaphore, #tpu.memory_space<semaphore_mem>>
      %dma_start3A_440 = arith.constant 6144 : i32
      %dma_start3A_441 = tpu.memref_slice %arg7[%dma_start3A_440] : memref<8192xi32, #tpu.memory_space<vmem>> -> memref<2048xi32, #tpu.memory_space<vmem>>
      %dma_start3A_442 = arith.constant 0 : i32
      %dma_start3A_443 = tpu.memref_slice %arg2[%run_scoped3A_28, %dma_start3A_442] : memref<4x2048xi32, #tpu.memory_space<hbm>> -> memref<1x2048xi32, #tpu.memory_space<hbm>>
      %dma_start3A_444 = tpu.memref_squeeze %dma_start3A_443 : memref<1x2048xi32, #tpu.memory_space<hbm>> -> memref<2048xi32, #tpu.memory_space<hbm>>
      %dma_start3A_445 = arith.constant 6144 : i32
      %dma_start3A_446 = tpu.memref_slice %arg7[%dma_start3A_445] : memref<8192xi32, #tpu.memory_space<vmem>> -> memref<2048xi32, #tpu.memory_space<vmem>>
      %dma_start3A_447 = arith.constant 0 : i32
      %dma_start3A_448 = tpu.memref_slice %arg2[%run_scoped3A_28, %dma_start3A_447] : memref<4x2048xi32, #tpu.memory_space<hbm>> -> memref<1x2048xi32, #tpu.memory_space<hbm>>
      %dma_start3A_449 = tpu.memref_squeeze %dma_start3A_448 : memref<1x2048xi32, #tpu.memory_space<hbm>> -> memref<2048xi32, #tpu.memory_space<hbm>>
      tpu.enqueue_dma source(%dma_start3A_449 : memref<2048xi32, #tpu.memory_space<hbm>>) target(%dma_start3A_446 : memref<2048xi32, #tpu.memory_space<vmem>>) target_semaphore(%run_scoped3A_439 : memref<!tpu.dma_semaphore, #tpu.memory_space<semaphore_mem>>)
      %dma_wait3A_450 = arith.constant 6144 : i32
      %dma_wait3A_451 = tpu.memref_slice %arg7[%dma_wait3A_450] : memref<8192xi32, #tpu.memory_space<vmem>> -> memref<2048xi32, #tpu.memory_space<vmem>>
      %dma_wait3A_452 = arith.constant 0 : i32
      %dma_wait3A_453 = tpu.memref_slice %arg2[%run_scoped3A_28, %dma_wait3A_452] : memref<4x2048xi32, #tpu.memory_space<hbm>> -> memref<1x2048xi32, #tpu.memory_space<hbm>>
      %dma_wait3A_454 = tpu.memref_squeeze %dma_wait3A_453 : memref<1x2048xi32, #tpu.memory_space<hbm>> -> memref<2048xi32, #tpu.memory_space<hbm>>
      %dma_wait3A_455 = arith.constant 6144 : i32
      %dma_wait3A_456 = tpu.memref_slice %arg7[%dma_wait3A_455] : memref<8192xi32, #tpu.memory_space<vmem>> -> memref<2048xi32, #tpu.memory_space<vmem>>
      %dma_wait3A_457 = arith.constant 0 : i32
      %dma_wait3A_458 = tpu.memref_slice %arg2[%run_scoped3A_28, %dma_wait3A_457] : memref<4x2048xi32, #tpu.memory_space<hbm>> -> memref<1x2048xi32, #tpu.memory_space<hbm>>
      %dma_wait3A_459 = tpu.memref_squeeze %dma_wait3A_458 : memref<1x2048xi32, #tpu.memory_space<hbm>> -> memref<2048xi32, #tpu.memory_space<hbm>>
      tpu.wait_dma2 semaphore(%run_scoped3A_439 : memref<!tpu.dma_semaphore, #tpu.memory_space<semaphore_mem>>) src(%dma_wait3A_459 : memref<2048xi32, #tpu.memory_space<hbm>>) dst(%dma_wait3A_456 : memref<2048xi32, #tpu.memory_space<vmem>>)
      tpu.yield
    }) : () -> ()
    %dma_wait3A = arith.constant 0 : i32
    %dma_wait3A_29 = tpu.memref_slice %arg8[%dma_wait3A] : memref<100000xf32, #tpu.memory_space<vmem>> -> memref<51200xf32, #tpu.memory_space<vmem>>
    %dma_wait3A_30 = arith.constant 0 : i32
    %dma_wait3A_31 = tpu.memref_slice %arg3[%add3A_4, %dma_wait3A_30] : memref<64x100000xf32, #tpu.memory_space<hbm>> -> memref<1x100000xf32, #tpu.memory_space<hbm>>
    %dma_wait3A_32 = tpu.memref_squeeze %dma_wait3A_31 : memref<1x100000xf32, #tpu.memory_space<hbm>> -> memref<100000xf32, #tpu.memory_space<hbm>>
    %dma_wait3A_33 = arith.constant 0 : i32
    %dma_wait3A_34 = tpu.memref_slice %dma_wait3A_32[%dma_wait3A_33] : memref<100000xf32, #tpu.memory_space<hbm>> -> memref<51200xf32, #tpu.memory_space<hbm>>
    %dma_wait3A_35 = arith.constant 0 : i32
    %dma_wait3A_36 = tpu.memref_slice %arg8[%dma_wait3A_35] : memref<100000xf32, #tpu.memory_space<vmem>> -> memref<51200xf32, #tpu.memory_space<vmem>>
    %dma_wait3A_37 = arith.constant 0 : i32
    %dma_wait3A_38 = tpu.memref_slice %arg3[%add3A_4, %dma_wait3A_37] : memref<64x100000xf32, #tpu.memory_space<hbm>> -> memref<1x100000xf32, #tpu.memory_space<hbm>>
    %dma_wait3A_39 = tpu.memref_squeeze %dma_wait3A_38 : memref<1x100000xf32, #tpu.memory_space<hbm>> -> memref<100000xf32, #tpu.memory_space<hbm>>
    %dma_wait3A_40 = arith.constant 0 : i32
    %dma_wait3A_41 = tpu.memref_slice %dma_wait3A_39[%dma_wait3A_40] : memref<100000xf32, #tpu.memory_space<hbm>> -> memref<51200xf32, #tpu.memory_space<hbm>>
    tpu.wait_dma2 semaphore(%arg12 : memref<!tpu.dma_semaphore, #tpu.memory_space<semaphore_mem>>) src(%dma_wait3A_41 : memref<51200xf32, #tpu.memory_space<hbm>>) dst(%dma_wait3A_36 : memref<51200xf32, #tpu.memory_space<vmem>>)
    %mul3A_42 = arith.constant 2 : i32
    %mul3A_43 = arith.muli %add3A, %mul3A_42 : i32
    %add3A_44 = arith.constant 0 : i32
    %add3A_45 = arith.addi %mul3A_43, %add3A_44 : i32
    %dma_start3A_46 = arith.constant 51200 : i32
    %dma_start3A_47 = tpu.memref_slice %arg8[%dma_start3A_46] : memref<100000xf32, #tpu.memory_space<vmem>> -> memref<48768xf32, #tpu.memory_space<vmem>>
    %dma_start3A_48 = arith.constant 0 : i32
    %dma_start3A_49 = tpu.memref_slice %arg3[%add3A_45, %dma_start3A_48] : memref<64x100000xf32, #tpu.memory_space<hbm>> -> memref<1x100000xf32, #tpu.memory_space<hbm>>
    %dma_start3A_50 = tpu.memref_squeeze %dma_start3A_49 : memref<1x100000xf32, #tpu.memory_space<hbm>> -> memref<100000xf32, #tpu.memory_space<hbm>>
    %dma_start3A_51 = arith.constant 51200 : i32
    %dma_start3A_52 = tpu.memref_slice %dma_start3A_50[%dma_start3A_51] : memref<100000xf32, #tpu.memory_space<hbm>> -> memref<48768xf32, #tpu.memory_space<hbm>>
    %dma_start3A_53 = arith.constant 51200 : i32
    %dma_start3A_54 = tpu.memref_slice %arg8[%dma_start3A_53] : memref<100000xf32, #tpu.memory_space<vmem>> -> memref<48768xf32, #tpu.memory_space<vmem>>
    %dma_start3A_55 = arith.constant 0 : i32
    %dma_start3A_56 = tpu.memref_slice %arg3[%add3A_45, %dma_start3A_55] : memref<64x100000xf32, #tpu.memory_space<hbm>> -> memref<1x100000xf32, #tpu.memory_space<hbm>>
    %dma_start3A_57 = tpu.memref_squeeze %dma_start3A_56 : memref<1x100000xf32, #tpu.memory_space<hbm>> -> memref<100000xf32, #tpu.memory_space<hbm>>
    %dma_start3A_58 = arith.constant 51200 : i32
    %dma_start3A_59 = tpu.memref_slice %dma_start3A_57[%dma_start3A_58] : memref<100000xf32, #tpu.memory_space<hbm>> -> memref<48768xf32, #tpu.memory_space<hbm>>
    tpu.enqueue_dma source(%dma_start3A_59 : memref<48768xf32, #tpu.memory_space<hbm>>) target(%dma_start3A_54 : memref<48768xf32, #tpu.memory_space<vmem>>) target_semaphore(%arg12 : memref<!tpu.dma_semaphore, #tpu.memory_space<semaphore_mem>>)
    %mul3A_60 = arith.constant 2 : i32
    %mul3A_61 = arith.muli %add3A, %mul3A_60 : i32
    %add3A_62 = arith.constant 0 : i32
    %add3A_63 = arith.addi %mul3A_61, %add3A_62 : i32
    %dma_start3A_64 = arith.constant 0 : i32
    %dma_start3A_65 = tpu.memref_slice %arg5[%add3A_63, %dma_start3A_64] : memref<64x128xf32, #tpu.memory_space<hbm>> -> memref<1x128xf32, #tpu.memory_space<hbm>>
    %dma_start3A_66 = tpu.memref_squeeze %dma_start3A_65 : memref<1x128xf32, #tpu.memory_space<hbm>> -> memref<128xf32, #tpu.memory_space<hbm>>
    %dma_start3A_67 = arith.constant 0 : i32
    %dma_start3A_68 = tpu.memref_slice %arg5[%add3A_63, %dma_start3A_67] : memref<64x128xf32, #tpu.memory_space<hbm>> -> memref<1x128xf32, #tpu.memory_space<hbm>>
    %dma_start3A_69 = tpu.memref_squeeze %dma_start3A_68 : memref<1x128xf32, #tpu.memory_space<hbm>> -> memref<128xf32, #tpu.memory_space<hbm>>
    tpu.enqueue_dma source(%dma_start3A_69 : memref<128xf32, #tpu.memory_space<hbm>>) target(%arg9 : memref<128xf32, #tpu.memory_space<vmem>>) target_semaphore(%arg12 : memref<!tpu.dma_semaphore, #tpu.memory_space<semaphore_mem>>)
    %scan3A = arith.constant 0 : i32
    %scan3A_70 = arith.constant 0 : i32
    %scan3A_71 = arith.constant 64 : i32
    %scan3A_72 = arith.addi %scan3A_70, %scan3A_71 : i32
    %scan3A_73 = arith.constant 1 : i32
    scf.for %scan3A_439 = %scan3A_70 to %scan3A_72 step %scan3A_73  : i32 {
      %mul3A_440 = arith.constant 128 : i32
      %mul3A_441 = arith.muli %scan3A_439, %mul3A_440 : i32
      %rem3A = arith.constant 2048 : i32
      %rem3A_442 = arith.remsi %mul3A_441, %rem3A : i32
      %mul3A_443 = arith.constant 128 : i32
      %mul3A_444 = arith.muli %scan3A_439, %mul3A_443 : i32
      %add3A_445 = arith.constant 0 : i32
      %add3A_446 = arith.addi %mul3A_444, %add3A_445 : i32
      %mul3A_447 = arith.constant 128 : i32
      %mul3A_448 = arith.muli %scan3A_439, %mul3A_447 : i32
      %add3A_449 = arith.constant 16 : i32
      %add3A_450 = arith.addi %mul3A_448, %add3A_449 : i32
      %mul3A_451 = arith.constant 128 : i32
      %mul3A_452 = arith.muli %scan3A_439, %mul3A_451 : i32
      %add3A_453 = arith.constant 32 : i32
      %add3A_454 = arith.addi %mul3A_452, %add3A_453 : i32
      %mul3A_455 = arith.constant 128 : i32
      %mul3A_456 = arith.muli %scan3A_439, %mul3A_455 : i32
      %add3A_457 = arith.constant 48 : i32
      %add3A_458 = arith.addi %mul3A_456, %add3A_457 : i32
      %mul3A_459 = arith.constant 128 : i32
      %mul3A_460 = arith.muli %scan3A_439, %mul3A_459 : i32
      %add3A_461 = arith.constant 64 : i32
      %add3A_462 = arith.addi %mul3A_460, %add3A_461 : i32
      %mul3A_463 = arith.constant 128 : i32
      %mul3A_464 = arith.muli %scan3A_439, %mul3A_463 : i32
      %add3A_465 = arith.constant 80 : i32
      %add3A_466 = arith.addi %mul3A_464, %add3A_465 : i32
      %mul3A_467 = arith.constant 128 : i32
      %mul3A_468 = arith.muli %scan3A_439, %mul3A_467 : i32
      %add3A_469 = arith.constant 96 : i32
      %add3A_470 = arith.addi %mul3A_468, %add3A_469 : i32
      %mul3A_471 = arith.constant 128 : i32
      %mul3A_472 = arith.muli %scan3A_439, %mul3A_471 : i32
      %add3A_473 = arith.constant 112 : i32
      %add3A_474 = arith.addi %mul3A_472, %add3A_473 : i32
      %get3A_475 = arith.index_cast %add3A_446 : i32 to index
      %get3A_476 = tpu.vector_load %arg7[%get3A_475] {strides = array<i32>} : memref<8192xi32, #tpu.memory_space<vmem>>, vector<16xi32>,
      %get3A_477 = arith.index_cast %add3A_450 : i32 to index
      %get3A_478 = tpu.vector_load %arg7[%get3A_477] {strides = array<i32>} : memref<8192xi32, #tpu.memory_space<vmem>>, vector<16xi32>,
      %get3A_479 = arith.index_cast %add3A_454 : i32 to index
      %get3A_480 = tpu.vector_load %arg7[%get3A_479] {strides = array<i32>} : memref<8192xi32, #tpu.memory_space<vmem>>, vector<16xi32>,
      %get3A_481 = arith.index_cast %add3A_458 : i32 to index
      %get3A_482 = tpu.vector_load %arg7[%get3A_481] {strides = array<i32>} : memref<8192xi32, #tpu.memory_space<vmem>>, vector<16xi32>,
      %get3A_483 = arith.index_cast %add3A_462 : i32 to index
      %get3A_484 = tpu.vector_load %arg7[%get3A_483] {strides = array<i32>} : memref<8192xi32, #tpu.memory_space<vmem>>, vector<16xi32>,
      %get3A_485 = arith.index_cast %add3A_466 : i32 to index
      %get3A_486 = tpu.vector_load %arg7[%get3A_485] {strides = array<i32>} : memref<8192xi32, #tpu.memory_space<vmem>>, vector<16xi32>,
      %get3A_487 = arith.index_cast %add3A_470 : i32 to index
      %get3A_488 = tpu.vector_load %arg7[%get3A_487] {strides = array<i32>} : memref<8192xi32, #tpu.memory_space<vmem>>, vector<16xi32>,
      %get3A_489 = arith.index_cast %add3A_474 : i32 to index
      %get3A_490 = tpu.vector_load %arg7[%get3A_489] {strides = array<i32>} : memref<8192xi32, #tpu.memory_space<vmem>>, vector<16xi32>,
      %lt3A = arith.constant 51200 : i32
      %lt3A_491 = vector.broadcast %lt3A : i32 to vector<16xi32>
      %lt3A_492 = arith.cmpi slt, %get3A_476, %lt3A_491 : vector<16xi32>
      %lt3A_493 = arith.constant 51200 : i32
      %lt3A_494 = vector.broadcast %lt3A_493 : i32 to vector<16xi32>
      %lt3A_495 = arith.cmpi slt, %get3A_478, %lt3A_494 : vector<16xi32>
      %lt3A_496 = arith.constant 51200 : i32
      %lt3A_497 = vector.broadcast %lt3A_496 : i32 to vector<16xi32>
      %lt3A_498 = arith.cmpi slt, %get3A_480, %lt3A_497 : vector<16xi32>
      %lt3A_499 = arith.constant 51200 : i32
      %lt3A_500 = vector.broadcast %lt3A_499 : i32 to vector<16xi32>
      %lt3A_501 = arith.cmpi slt, %get3A_482, %lt3A_500 : vector<16xi32>
      %lt3A_502 = arith.constant 51200 : i32
      %lt3A_503 = vector.broadcast %lt3A_502 : i32 to vector<16xi32>
      %lt3A_504 = arith.cmpi slt, %get3A_484, %lt3A_503 : vector<16xi32>
      %lt3A_505 = arith.constant 51200 : i32
      %lt3A_506 = vector.broadcast %lt3A_505 : i32 to vector<16xi32>
      %lt3A_507 = arith.cmpi slt, %get3A_486, %lt3A_506 : vector<16xi32>
      %lt3A_508 = arith.constant 51200 : i32
      %lt3A_509 = vector.broadcast %lt3A_508 : i32 to vector<16xi32>
      %lt3A_510 = arith.cmpi slt, %get3A_488, %lt3A_509 : vector<16xi32>
      %lt3A_511 = arith.constant 51200 : i32
      %lt3A_512 = vector.broadcast %lt3A_511 : i32 to vector<16xi32>
      %lt3A_513 = arith.cmpi slt, %get3A_490, %lt3A_512 : vector<16xi32>
      %gather3A = tpu.vector_load_idx %arg8[%get3A_476] masked %lt3A_492 : memref<100000xf32, #tpu.memory_space<vmem>>[vector<16xi32>], vector<16xf32>, vector<16xi1>
      %gather3A_514 = tpu.vector_load_idx %arg8[%get3A_478] masked %lt3A_495 : memref<100000xf32, #tpu.memory_space<vmem>>[vector<16xi32>], vector<16xf32>, vector<16xi1>
      %gather3A_515 = tpu.vector_load_idx %arg8[%get3A_480] masked %lt3A_498 : memref<100000xf32, #tpu.memory_space<vmem>>[vector<16xi32>], vector<16xf32>, vector<16xi1>
      %gather3A_516 = tpu.vector_load_idx %arg8[%get3A_482] masked %lt3A_501 : memref<100000xf32, #tpu.memory_space<vmem>>[vector<16xi32>], vector<16xf32>, vector<16xi1>
      %gather3A_517 = tpu.vector_load_idx %arg8[%get3A_484] masked %lt3A_504 : memref<100000xf32, #tpu.memory_space<vmem>>[vector<16xi32>], vector<16xf32>, vector<16xi1>
      %gather3A_518 = tpu.vector_load_idx %arg8[%get3A_486] masked %lt3A_507 : memref<100000xf32, #tpu.memory_space<vmem>>[vector<16xi32>], vector<16xf32>, vector<16xi1>
      %gather3A_519 = tpu.vector_load_idx %arg8[%get3A_488] masked %lt3A_510 : memref<100000xf32, #tpu.memory_space<vmem>>[vector<16xi32>], vector<16xf32>, vector<16xi1>
      %gather3A_520 = tpu.vector_load_idx %arg8[%get3A_490] masked %lt3A_513 : memref<100000xf32, #tpu.memory_space<vmem>>[vector<16xi32>], vector<16xf32>, vector<16xi1>
      %add3A_521 = arith.constant 0 : i32
      %add3A_522 = arith.addi %add3A_521, %rem3A_442 : i32
      %add3A_523 = arith.constant 0 : i32
      %add3A_524 = arith.addi %add3A_522, %add3A_523 : i32
      %get3A_525 = arith.index_cast %add3A_524 : i32 to index
      %get3A_526 = tpu.vector_load %arg10[%get3A_525] {strides = array<i32>} : memref<4096xf32, #tpu.memory_space<vmem>>, vector<16xf32>,
      %add3A_527 = arith.constant 0 : i32
      %add3A_528 = arith.addi %add3A_527, %rem3A_442 : i32
      %add3A_529 = arith.constant 16 : i32
      %add3A_530 = arith.addi %add3A_528, %add3A_529 : i32
      %get3A_531 = arith.index_cast %add3A_530 : i32 to index
      %get3A_532 = tpu.vector_load %arg10[%get3A_531] {strides = array<i32>} : memref<4096xf32, #tpu.memory_space<vmem>>, vector<16xf32>,
      %add3A_533 = arith.constant 0 : i32
      %add3A_534 = arith.addi %add3A_533, %rem3A_442 : i32
      %add3A_535 = arith.constant 32 : i32
      %add3A_536 = arith.addi %add3A_534, %add3A_535 : i32
      %get3A_537 = arith.index_cast %add3A_536 : i32 to index
      %get3A_538 = tpu.vector_load %arg10[%get3A_537] {strides = array<i32>} : memref<4096xf32, #tpu.memory_space<vmem>>, vector<16xf32>,
      %add3A_539 = arith.constant 0 : i32
      %add3A_540 = arith.addi %add3A_539, %rem3A_442 : i32
      %add3A_541 = arith.constant 48 : i32
      %add3A_542 = arith.addi %add3A_540, %add3A_541 : i32
      %get3A_543 = arith.index_cast %add3A_542 : i32 to index
      %get3A_544 = tpu.vector_load %arg10[%get3A_543] {strides = array<i32>} : memref<4096xf32, #tpu.memory_space<vmem>>, vector<16xf32>,
      %add3A_545 = arith.constant 0 : i32
      %add3A_546 = arith.addi %add3A_545, %rem3A_442 : i32
      %add3A_547 = arith.constant 64 : i32
      %add3A_548 = arith.addi %add3A_546, %add3A_547 : i32
      %get3A_549 = arith.index_cast %add3A_548 : i32 to index
      %get3A_550 = tpu.vector_load %arg10[%get3A_549] {strides = array<i32>} : memref<4096xf32, #tpu.memory_space<vmem>>, vector<16xf32>,
      %add3A_551 = arith.constant 0 : i32
      %add3A_552 = arith.addi %add3A_551, %rem3A_442 : i32
      %add3A_553 = arith.constant 80 : i32
      %add3A_554 = arith.addi %add3A_552, %add3A_553 : i32
      %get3A_555 = arith.index_cast %add3A_554 : i32 to index
      %get3A_556 = tpu.vector_load %arg10[%get3A_555] {strides = array<i32>} : memref<4096xf32, #tpu.memory_space<vmem>>, vector<16xf32>,
      %add3A_557 = arith.constant 0 : i32
      %add3A_558 = arith.addi %add3A_557, %rem3A_442 : i32
      %add3A_559 = arith.constant 96 : i32
      %add3A_560 = arith.addi %add3A_558, %add3A_559 : i32
      %get3A_561 = arith.index_cast %add3A_560 : i32 to index
      %get3A_562 = tpu.vector_load %arg10[%get3A_561] {strides = array<i32>} : memref<4096xf32, #tpu.memory_space<vmem>>, vector<16xf32>,
      %add3A_563 = arith.constant 0 : i32
      %add3A_564 = arith.addi %add3A_563, %rem3A_442 : i32
      %add3A_565 = arith.constant 112 : i32
      %add3A_566 = arith.addi %add3A_564, %add3A_565 : i32
      %get3A_567 = arith.index_cast %add3A_566 : i32 to index
      %get3A_568 = tpu.vector_load %arg10[%get3A_567] {strides = array<i32>} : memref<4096xf32, #tpu.memory_space<vmem>>, vector<16xf32>,
      %add3A_569 = arith.addf %gather3A, %get3A_526 : vector<16xf32>
      %add3A_570 = arith.constant 0 : i32
      %add3A_571 = arith.addi %add3A_570, %add3A_446 : i32
      %swap3A_572 = arith.index_cast %add3A_571 : i32 to index
      %swap3A_573 = tpu.vector_load %arg11[%swap3A_572] {strides = array<i32>} : memref<16384xf32, #tpu.memory_space<vmem>>, vector<16xf32>,
      tpu.vector_store %arg11[%swap3A_572], %add3A_569 {strides = array<i32>} : memref<16384xf32, #tpu.memory_space<vmem>>, vector<16xf32>,
      %add3A_574 = arith.addf %gather3A_514, %get3A_532 : vector<16xf32>
      %add3A_575 = arith.constant 0 : i32
      %add3A_576 = arith.addi %add3A_575, %add3A_450 : i32
      %swap3A_577 = arith.index_cast %add3A_576 : i32 to index
      %swap3A_578 = tpu.vector_load %arg11[%swap3A_577] {strides = array<i32>} : memref<16384xf32, #tpu.memory_space<vmem>>, vector<16xf32>,
      tpu.vector_store %arg11[%swap3A_577], %add3A_574 {strides = array<i32>} : memref<16384xf32, #tpu.memory_space<vmem>>, vector<16xf32>,
      %add3A_579 = arith.addf %gather3A_515, %get3A_538 : vector<16xf32>
      %add3A_580 = arith.constant 0 : i32
      %add3A_581 = arith.addi %add3A_580, %add3A_454 : i32
      %swap3A_582 = arith.index_cast %add3A_581 : i32 to index
      %swap3A_583 = tpu.vector_load %arg11[%swap3A_582] {strides = array<i32>} : memref<16384xf32, #tpu.memory_space<vmem>>, vector<16xf32>,
      tpu.vector_store %arg11[%swap3A_582], %add3A_579 {strides = array<i32>} : memref<16384xf32, #tpu.memory_space<vmem>>, vector<16xf32>,
      %add3A_584 = arith.addf %gather3A_516, %get3A_544 : vector<16xf32>
      %add3A_585 = arith.constant 0 : i32
      %add3A_586 = arith.addi %add3A_585, %add3A_458 : i32
      %swap3A_587 = arith.index_cast %add3A_586 : i32 to index
      %swap3A_588 = tpu.vector_load %arg11[%swap3A_587] {strides = array<i32>} : memref<16384xf32, #tpu.memory_space<vmem>>, vector<16xf32>,
      tpu.vector_store %arg11[%swap3A_587], %add3A_584 {strides = array<i32>} : memref<16384xf32, #tpu.memory_space<vmem>>, vector<16xf32>,
      %add3A_589 = arith.addf %gather3A_517, %get3A_550 : vector<16xf32>
      %add3A_590 = arith.constant 0 : i32
      %add3A_591 = arith.addi %add3A_590, %add3A_462 : i32
      %swap3A_592 = arith.index_cast %add3A_591 : i32 to index
      %swap3A_593 = tpu.vector_load %arg11[%swap3A_592] {strides = array<i32>} : memref<16384xf32, #tpu.memory_space<vmem>>, vector<16xf32>,
      tpu.vector_store %arg11[%swap3A_592], %add3A_589 {strides = array<i32>} : memref<16384xf32, #tpu.memory_space<vmem>>, vector<16xf32>,
      %add3A_594 = arith.addf %gather3A_518, %get3A_556 : vector<16xf32>
      %add3A_595 = arith.constant 0 : i32
      %add3A_596 = arith.addi %add3A_595, %add3A_466 : i32
      %swap3A_597 = arith.index_cast %add3A_596 : i32 to index
      %swap3A_598 = tpu.vector_load %arg11[%swap3A_597] {strides = array<i32>} : memref<16384xf32, #tpu.memory_space<vmem>>, vector<16xf32>,
      tpu.vector_store %arg11[%swap3A_597], %add3A_594 {strides = array<i32>} : memref<16384xf32, #tpu.memory_space<vmem>>, vector<16xf32>,
      %add3A_599 = arith.addf %gather3A_519, %get3A_562 : vector<16xf32>
      %add3A_600 = arith.constant 0 : i32
      %add3A_601 = arith.addi %add3A_600, %add3A_470 : i32
      %swap3A_602 = arith.index_cast %add3A_601 : i32 to index
      %swap3A_603 = tpu.vector_load %arg11[%swap3A_602] {strides = array<i32>} : memref<16384xf32, #tpu.memory_space<vmem>>, vector<16xf32>,
      tpu.vector_store %arg11[%swap3A_602], %add3A_599 {strides = array<i32>} : memref<16384xf32, #tpu.memory_space<vmem>>, vector<16xf32>,
      %add3A_604 = arith.addf %gather3A_520, %get3A_568 : vector<16xf32>
      %add3A_605 = arith.constant 0 : i32
      %add3A_606 = arith.addi %add3A_605, %add3A_474 : i32
      %swap3A_607 = arith.index_cast %add3A_606 : i32 to index
      %swap3A_608 = tpu.vector_load %arg11[%swap3A_607] {strides = array<i32>} : memref<16384xf32, #tpu.memory_space<vmem>>, vector<16xf32>,
      tpu.vector_store %arg11[%swap3A_607], %add3A_604 {strides = array<i32>} : memref<16384xf32, #tpu.memory_space<vmem>>, vector<16xf32>,
    }
    %scan3A_74 = arith.constant 64 : i32
    %dma_wait3A_75 = arith.constant 51200 : i32
    %dma_wait3A_76 = tpu.memref_slice %arg8[%dma_wait3A_75] : memref<100000xf32, #tpu.memory_space<vmem>> -> memref<48768xf32, #tpu.memory_space<vmem>>
    %dma_wait3A_77 = arith.constant 0 : i32
    %dma_wait3A_78 = tpu.memref_slice %arg3[%add3A_45, %dma_wait3A_77] : memref<64x100000xf32, #tpu.memory_space<hbm>> -> memref<1x100000xf32, #tpu.memory_space<hbm>>
    %dma_wait3A_79 = tpu.memref_squeeze %dma_wait3A_78 : memref<1x100000xf32, #tpu.memory_space<hbm>> -> memref<100000xf32, #tpu.memory_space<hbm>>
    %dma_wait3A_80 = arith.constant 51200 : i32
    %dma_wait3A_81 = tpu.memref_slice %dma_wait3A_79[%dma_wait3A_80] : memref<100000xf32, #tpu.memory_space<hbm>> -> memref<48768xf32, #tpu.memory_space<hbm>>
    %dma_wait3A_82 = arith.constant 51200 : i32
    %dma_wait3A_83 = tpu.memref_slice %arg8[%dma_wait3A_82] : memref<100000xf32, #tpu.memory_space<vmem>> -> memref<48768xf32, #tpu.memory_space<vmem>>
    %dma_wait3A_84 = arith.constant 0 : i32
    %dma_wait3A_85 = tpu.memref_slice %arg3[%add3A_45, %dma_wait3A_84] : memref<64x100000xf32, #tpu.memory_space<hbm>> -> memref<1x100000xf32, #tpu.memory_space<hbm>>
    %dma_wait3A_86 = tpu.memref_squeeze %dma_wait3A_85 : memref<1x100000xf32, #tpu.memory_space<hbm>> -> memref<100000xf32, #tpu.memory_space<hbm>>
    %dma_wait3A_87 = arith.constant 51200 : i32
    %dma_wait3A_88 = tpu.memref_slice %dma_wait3A_86[%dma_wait3A_87] : memref<100000xf32, #tpu.memory_space<hbm>> -> memref<48768xf32, #tpu.memory_space<hbm>>
    tpu.wait_dma2 semaphore(%arg12 : memref<!tpu.dma_semaphore, #tpu.memory_space<semaphore_mem>>) src(%dma_wait3A_88 : memref<48768xf32, #tpu.memory_space<hbm>>) dst(%dma_wait3A_83 : memref<48768xf32, #tpu.memory_space<vmem>>)
    %dma_wait3A_89 = arith.constant 0 : i32
    %dma_wait3A_90 = tpu.memref_slice %arg5[%add3A_63, %dma_wait3A_89] : memref<64x128xf32, #tpu.memory_space<hbm>> -> memref<1x128xf32, #tpu.memory_space<hbm>>
    %dma_wait3A_91 = tpu.memref_squeeze %dma_wait3A_90 : memref<1x128xf32, #tpu.memory_space<hbm>> -> memref<128xf32, #tpu.memory_space<hbm>>
    %dma_wait3A_92 = arith.constant 0 : i32
    %dma_wait3A_93 = tpu.memref_slice %arg5[%add3A_63, %dma_wait3A_92] : memref<64x128xf32, #tpu.memory_space<hbm>> -> memref<1x128xf32, #tpu.memory_space<hbm>>
    %dma_wait3A_94 = tpu.memref_squeeze %dma_wait3A_93 : memref<1x128xf32, #tpu.memory_space<hbm>> -> memref<128xf32, #tpu.memory_space<hbm>>
    tpu.wait_dma2 semaphore(%arg12 : memref<!tpu.dma_semaphore, #tpu.memory_space<semaphore_mem>>) src(%dma_wait3A_94 : memref<128xf32, #tpu.memory_space<hbm>>) dst(%arg9 : memref<128xf32, #tpu.memory_space<vmem>>)
    %mul3A_95 = arith.constant 2 : i32
    %mul3A_96 = arith.muli %add3A, %mul3A_95 : i32
    %add3A_97 = arith.constant 1 : i32
    %add3A_98 = arith.addi %mul3A_96, %add3A_97 : i32
    %dma_start3A_99 = arith.constant 0 : i32
    %dma_start3A_100 = tpu.memref_slice %arg8[%dma_start3A_99] : memref<100000xf32, #tpu.memory_space<vmem>> -> memref<51200xf32, #tpu.memory_space<vmem>>
    %dma_start3A_101 = arith.constant 0 : i32
    %dma_start3A_102 = tpu.memref_slice %arg3[%add3A_98, %dma_start3A_101] : memref<64x100000xf32, #tpu.memory_space<hbm>> -> memref<1x100000xf32, #tpu.memory_space<hbm>>
    %dma_start3A_103 = tpu.memref_squeeze %dma_start3A_102 : memref<1x100000xf32, #tpu.memory_space<hbm>> -> memref<100000xf32, #tpu.memory_space<hbm>>
    %dma_start3A_104 = arith.constant 0 : i32
    %dma_start3A_105 = tpu.memref_slice %dma_start3A_103[%dma_start3A_104] : memref<100000xf32, #tpu.memory_space<hbm>> -> memref<51200xf32, #tpu.memory_space<hbm>>
    %dma_start3A_106 = arith.constant 0 : i32
    %dma_start3A_107 = tpu.memref_slice %arg8[%dma_start3A_106] : memref<100000xf32, #tpu.memory_space<vmem>> -> memref<51200xf32, #tpu.memory_space<vmem>>
    %dma_start3A_108 = arith.constant 0 : i32
    %dma_start3A_109 = tpu.memref_slice %arg3[%add3A_98, %dma_start3A_108] : memref<64x100000xf32, #tpu.memory_space<hbm>> -> memref<1x100000xf32, #tpu.memory_space<hbm>>
    %dma_start3A_110 = tpu.memref_squeeze %dma_start3A_109 : memref<1x100000xf32, #tpu.memory_space<hbm>> -> memref<100000xf32, #tpu.memory_space<hbm>>
    %dma_start3A_111 = arith.constant 0 : i32
    %dma_start3A_112 = tpu.memref_slice %dma_start3A_110[%dma_start3A_111] : memref<100000xf32, #tpu.memory_space<hbm>> -> memref<51200xf32, #tpu.memory_space<hbm>>
    tpu.enqueue_dma source(%dma_start3A_112 : memref<51200xf32, #tpu.memory_space<hbm>>) target(%dma_start3A_107 : memref<51200xf32, #tpu.memory_space<vmem>>) target_semaphore(%arg12 : memref<!tpu.dma_semaphore, #tpu.memory_space<semaphore_mem>>)
    %get3A = arith.constant 0 : index
    %get3A_113 = tpu.vector_load %arg9[%get3A] {strides = array<i32>} : memref<128xf32, #tpu.memory_space<vmem>>, vector<16xf32>,
    %swap3A = arith.constant 99872 : index
    %swap3A_114 = tpu.vector_load %arg8[%swap3A] {strides = array<i32>} : memref<100000xf32, #tpu.memory_space<vmem>>, vector<16xf32>,
    tpu.vector_store %arg8[%swap3A], %get3A_113 {strides = array<i32>} : memref<100000xf32, #tpu.memory_space<vmem>>, vector<16xf32>,
    %get3A_115 = arith.constant 16 : index
    %get3A_116 = tpu.vector_load %arg9[%get3A_115] {strides = array<i32>} : memref<128xf32, #tpu.memory_space<vmem>>, vector<16xf32>,
    %swap3A_117 = arith.constant 99888 : index
    %swap3A_118 = tpu.vector_load %arg8[%swap3A_117] {strides = array<i32>} : memref<100000xf32, #tpu.memory_space<vmem>>, vector<16xf32>,
    tpu.vector_store %arg8[%swap3A_117], %get3A_116 {strides = array<i32>} : memref<100000xf32, #tpu.memory_space<vmem>>, vector<16xf32>,
    %get3A_119 = arith.constant 32 : index
    %get3A_120 = tpu.vector_load %arg9[%get3A_119] {strides = array<i32>} : memref<128xf32, #tpu.memory_space<vmem>>, vector<16xf32>,
    %swap3A_121 = arith.constant 99904 : index
    %swap3A_122 = tpu.vector_load %arg8[%swap3A_121] {strides = array<i32>} : memref<100000xf32, #tpu.memory_space<vmem>>, vector<16xf32>,
    tpu.vector_store %arg8[%swap3A_121], %get3A_120 {strides = array<i32>} : memref<100000xf32, #tpu.memory_space<vmem>>, vector<16xf32>,
    %get3A_123 = arith.constant 48 : index
    %get3A_124 = tpu.vector_load %arg9[%get3A_123] {strides = array<i32>} : memref<128xf32, #tpu.memory_space<vmem>>, vector<16xf32>,
    %swap3A_125 = arith.constant 99920 : index
    %swap3A_126 = tpu.vector_load %arg8[%swap3A_125] {strides = array<i32>} : memref<100000xf32, #tpu.memory_space<vmem>>, vector<16xf32>,
    tpu.vector_store %arg8[%swap3A_125], %get3A_124 {strides = array<i32>} : memref<100000xf32, #tpu.memory_space<vmem>>, vector<16xf32>,
    %get3A_127 = arith.constant 64 : index
    %get3A_128 = tpu.vector_load %arg9[%get3A_127] {strides = array<i32>} : memref<128xf32, #tpu.memory_space<vmem>>, vector<16xf32>,
    %swap3A_129 = arith.constant 99936 : index
    %swap3A_130 = tpu.vector_load %arg8[%swap3A_129] {strides = array<i32>} : memref<100000xf32, #tpu.memory_space<vmem>>, vector<16xf32>,
    tpu.vector_store %arg8[%swap3A_129], %get3A_128 {strides = array<i32>} : memref<100000xf32, #tpu.memory_space<vmem>>, vector<16xf32>,
    %get3A_131 = arith.constant 80 : index
    %get3A_132 = tpu.vector_load %arg9[%get3A_131] {strides = array<i32>} : memref<128xf32, #tpu.memory_space<vmem>>, vector<16xf32>,
    %swap3A_133 = arith.constant 99952 : index
    %swap3A_134 = tpu.vector_load %arg8[%swap3A_133] {strides = array<i32>} : memref<100000xf32, #tpu.memory_space<vmem>>, vector<16xf32>,
    tpu.vector_store %arg8[%swap3A_133], %get3A_132 {strides = array<i32>} : memref<100000xf32, #tpu.memory_space<vmem>>, vector<16xf32>,
    %get3A_135 = arith.constant 96 : index
    %get3A_136 = tpu.vector_load %arg9[%get3A_135] {strides = array<i32>} : memref<128xf32, #tpu.memory_space<vmem>>, vector<16xf32>,
    %swap3A_137 = arith.constant 99968 : index
    %swap3A_138 = tpu.vector_load %arg8[%swap3A_137] {strides = array<i32>} : memref<100000xf32, #tpu.memory_space<vmem>>, vector<16xf32>,
    tpu.vector_store %arg8[%swap3A_137], %get3A_136 {strides = array<i32>} : memref<100000xf32, #tpu.memory_space<vmem>>, vector<16xf32>,
    %get3A_139 = arith.constant 112 : index
    %get3A_140 = tpu.vector_load %arg9[%get3A_139] {strides = array<i32>} : memref<128xf32, #tpu.memory_space<vmem>>, vector<16xf32>,
    %swap3A_141 = arith.constant 99984 : index
    %swap3A_142 = tpu.vector_load %arg8[%swap3A_141] {strides = array<i32>} : memref<100000xf32, #tpu.memory_space<vmem>>, vector<16xf32>,
    tpu.vector_store %arg8[%swap3A_141], %get3A_140 {strides = array<i32>} : memref<100000xf32, #tpu.memory_space<vmem>>, vector<16xf32>,
    %scan3A_143 = arith.constant 0 : i32
    %scan3A_144 = arith.constant 0 : i32
    %scan3A_145 = arith.constant 64 : i32
    %scan3A_146 = arith.addi %scan3A_144, %scan3A_145 : i32
    %scan3A_147 = arith.constant 1 : i32
    scf.for %scan3A_439 = %scan3A_144 to %scan3A_146 step %scan3A_147  : i32 {
      %mul3A_440 = arith.constant 128 : i32
      %mul3A_441 = arith.muli %scan3A_439, %mul3A_440 : i32
      %rem3A = arith.constant 2048 : i32
      %rem3A_442 = arith.remsi %mul3A_441, %rem3A : i32
      %mul3A_443 = arith.constant 128 : i32
      %mul3A_444 = arith.muli %scan3A_439, %mul3A_443 : i32
      %add3A_445 = arith.constant 0 : i32
      %add3A_446 = arith.addi %mul3A_444, %add3A_445 : i32
      %mul3A_447 = arith.constant 128 : i32
      %mul3A_448 = arith.muli %scan3A_439, %mul3A_447 : i32
      %add3A_449 = arith.constant 16 : i32
      %add3A_450 = arith.addi %mul3A_448, %add3A_449 : i32
      %mul3A_451 = arith.constant 128 : i32
      %mul3A_452 = arith.muli %scan3A_439, %mul3A_451 : i32
      %add3A_453 = arith.constant 32 : i32
      %add3A_454 = arith.addi %mul3A_452, %add3A_453 : i32
      %mul3A_455 = arith.constant 128 : i32
      %mul3A_456 = arith.muli %scan3A_439, %mul3A_455 : i32
      %add3A_457 = arith.constant 48 : i32
      %add3A_458 = arith.addi %mul3A_456, %add3A_457 : i32
      %mul3A_459 = arith.constant 128 : i32
      %mul3A_460 = arith.muli %scan3A_439, %mul3A_459 : i32
      %add3A_461 = arith.constant 64 : i32
      %add3A_462 = arith.addi %mul3A_460, %add3A_461 : i32
      %mul3A_463 = arith.constant 128 : i32
      %mul3A_464 = arith.muli %scan3A_439, %mul3A_463 : i32
      %add3A_465 = arith.constant 80 : i32
      %add3A_466 = arith.addi %mul3A_464, %add3A_465 : i32
      %mul3A_467 = arith.constant 128 : i32
      %mul3A_468 = arith.muli %scan3A_439, %mul3A_467 : i32
      %add3A_469 = arith.constant 96 : i32
      %add3A_470 = arith.addi %mul3A_468, %add3A_469 : i32
      %mul3A_471 = arith.constant 128 : i32
      %mul3A_472 = arith.muli %scan3A_439, %mul3A_471 : i32
      %add3A_473 = arith.constant 112 : i32
      %add3A_474 = arith.addi %mul3A_472, %add3A_473 : i32
      %get3A_475 = arith.index_cast %add3A_446 : i32 to index
      %get3A_476 = tpu.vector_load %arg7[%get3A_475] {strides = array<i32>} : memref<8192xi32, #tpu.memory_space<vmem>>, vector<16xi32>,
      %get3A_477 = arith.index_cast %add3A_450 : i32 to index
      %get3A_478 = tpu.vector_load %arg7[%get3A_477] {strides = array<i32>} : memref<8192xi32, #tpu.memory_space<vmem>>, vector<16xi32>,
      %get3A_479 = arith.index_cast %add3A_454 : i32 to index
      %get3A_480 = tpu.vector_load %arg7[%get3A_479] {strides = array<i32>} : memref<8192xi32, #tpu.memory_space<vmem>>, vector<16xi32>,
      %get3A_481 = arith.index_cast %add3A_458 : i32 to index
      %get3A_482 = tpu.vector_load %arg7[%get3A_481] {strides = array<i32>} : memref<8192xi32, #tpu.memory_space<vmem>>, vector<16xi32>,
      %get3A_483 = arith.index_cast %add3A_462 : i32 to index
      %get3A_484 = tpu.vector_load %arg7[%get3A_483] {strides = array<i32>} : memref<8192xi32, #tpu.memory_space<vmem>>, vector<16xi32>,
      %get3A_485 = arith.index_cast %add3A_466 : i32 to index
      %get3A_486 = tpu.vector_load %arg7[%get3A_485] {strides = array<i32>} : memref<8192xi32, #tpu.memory_space<vmem>>, vector<16xi32>,
      %get3A_487 = arith.index_cast %add3A_470 : i32 to index
      %get3A_488 = tpu.vector_load %arg7[%get3A_487] {strides = array<i32>} : memref<8192xi32, #tpu.memory_space<vmem>>, vector<16xi32>,
      %get3A_489 = arith.index_cast %add3A_474 : i32 to index
      %get3A_490 = tpu.vector_load %arg7[%get3A_489] {strides = array<i32>} : memref<8192xi32, #tpu.memory_space<vmem>>, vector<16xi32>,
      %ge3A = arith.constant 51200 : i32
      %ge3A_491 = vector.broadcast %ge3A : i32 to vector<16xi32>
      %ge3A_492 = arith.cmpi sge, %get3A_476, %ge3A_491 : vector<16xi32>
      %ge3A_493 = arith.constant 51200 : i32
      %ge3A_494 = vector.broadcast %ge3A_493 : i32 to vector<16xi32>
      %ge3A_495 = arith.cmpi sge, %get3A_478, %ge3A_494 : vector<16xi32>
      %ge3A_496 = arith.constant 51200 : i32
      %ge3A_497 = vector.broadcast %ge3A_496 : i32 to vector<16xi32>
      %ge3A_498 = arith.cmpi sge, %get3A_480, %ge3A_497 : vector<16xi32>
      %ge3A_499 = arith.constant 51200 : i32
      %ge3A_500 = vector.broadcast %ge3A_499 : i32 to vector<16xi32>
      %ge3A_501 = arith.cmpi sge, %get3A_482, %ge3A_500 : vector<16xi32>
      %ge3A_502 = arith.constant 51200 : i32
      %ge3A_503 = vector.broadcast %ge3A_502 : i32 to vector<16xi32>
      %ge3A_504 = arith.cmpi sge, %get3A_484, %ge3A_503 : vector<16xi32>
      %ge3A_505 = arith.constant 51200 : i32
      %ge3A_506 = vector.broadcast %ge3A_505 : i32 to vector<16xi32>
      %ge3A_507 = arith.cmpi sge, %get3A_486, %ge3A_506 : vector<16xi32>
      %ge3A_508 = arith.constant 51200 : i32
      %ge3A_509 = vector.broadcast %ge3A_508 : i32 to vector<16xi32>
      %ge3A_510 = arith.cmpi sge, %get3A_488, %ge3A_509 : vector<16xi32>
      %ge3A_511 = arith.constant 51200 : i32
      %ge3A_512 = vector.broadcast %ge3A_511 : i32 to vector<16xi32>
      %ge3A_513 = arith.cmpi sge, %get3A_490, %ge3A_512 : vector<16xi32>
      %gather3A = tpu.vector_load_idx %arg8[%get3A_476] masked %ge3A_492 : memref<100000xf32, #tpu.memory_space<vmem>>[vector<16xi32>], vector<16xf32>, vector<16xi1>
      %gather3A_514 = tpu.vector_load_idx %arg8[%get3A_478] masked %ge3A_495 : memref<100000xf32, #tpu.memory_space<vmem>>[vector<16xi32>], vector<16xf32>, vector<16xi1>
      %gather3A_515 = tpu.vector_load_idx %arg8[%get3A_480] masked %ge3A_498 : memref<100000xf32, #tpu.memory_space<vmem>>[vector<16xi32>], vector<16xf32>, vector<16xi1>
      %gather3A_516 = tpu.vector_load_idx %arg8[%get3A_482] masked %ge3A_501 : memref<100000xf32, #tpu.memory_space<vmem>>[vector<16xi32>], vector<16xf32>, vector<16xi1>
      %gather3A_517 = tpu.vector_load_idx %arg8[%get3A_484] masked %ge3A_504 : memref<100000xf32, #tpu.memory_space<vmem>>[vector<16xi32>], vector<16xf32>, vector<16xi1>
      %gather3A_518 = tpu.vector_load_idx %arg8[%get3A_486] masked %ge3A_507 : memref<100000xf32, #tpu.memory_space<vmem>>[vector<16xi32>], vector<16xf32>, vector<16xi1>
      %gather3A_519 = tpu.vector_load_idx %arg8[%get3A_488] masked %ge3A_510 : memref<100000xf32, #tpu.memory_space<vmem>>[vector<16xi32>], vector<16xf32>, vector<16xi1>
      %gather3A_520 = tpu.vector_load_idx %arg8[%get3A_490] masked %ge3A_513 : memref<100000xf32, #tpu.memory_space<vmem>>[vector<16xi32>], vector<16xf32>, vector<16xi1>
      %add3A_521 = arith.constant 0 : i32
      %add3A_522 = arith.addi %add3A_521, %rem3A_442 : i32
      %add3A_523 = arith.constant 0 : i32
      %add3A_524 = arith.addi %add3A_522, %add3A_523 : i32
      %get3A_525 = arith.index_cast %add3A_524 : i32 to index
      %get3A_526 = tpu.vector_load %arg10[%get3A_525] {strides = array<i32>} : memref<4096xf32, #tpu.memory_space<vmem>>, vector<16xf32>,
      %add3A_527 = arith.constant 0 : i32
      %add3A_528 = arith.addi %add3A_527, %rem3A_442 : i32
      %add3A_529 = arith.constant 16 : i32
      %add3A_530 = arith.addi %add3A_528, %add3A_529 : i32
      %get3A_531 = arith.index_cast %add3A_530 : i32 to index
      %get3A_532 = tpu.vector_load %arg10[%get3A_531] {strides = array<i32>} : memref<4096xf32, #tpu.memory_space<vmem>>, vector<16xf32>,
      %add3A_533 = arith.constant 0 : i32
      %add3A_534 = arith.addi %add3A_533, %rem3A_442 : i32
      %add3A_535 = arith.constant 32 : i32
      %add3A_536 = arith.addi %add3A_534, %add3A_535 : i32
      %get3A_537 = arith.index_cast %add3A_536 : i32 to index
      %get3A_538 = tpu.vector_load %arg10[%get3A_537] {strides = array<i32>} : memref<4096xf32, #tpu.memory_space<vmem>>, vector<16xf32>,
      %add3A_539 = arith.constant 0 : i32
      %add3A_540 = arith.addi %add3A_539, %rem3A_442 : i32
      %add3A_541 = arith.constant 48 : i32
      %add3A_542 = arith.addi %add3A_540, %add3A_541 : i32
      %get3A_543 = arith.index_cast %add3A_542 : i32 to index
      %get3A_544 = tpu.vector_load %arg10[%get3A_543] {strides = array<i32>} : memref<4096xf32, #tpu.memory_space<vmem>>, vector<16xf32>,
      %add3A_545 = arith.constant 0 : i32
      %add3A_546 = arith.addi %add3A_545, %rem3A_442 : i32
      %add3A_547 = arith.constant 64 : i32
      %add3A_548 = arith.addi %add3A_546, %add3A_547 : i32
      %get3A_549 = arith.index_cast %add3A_548 : i32 to index
      %get3A_550 = tpu.vector_load %arg10[%get3A_549] {strides = array<i32>} : memref<4096xf32, #tpu.memory_space<vmem>>, vector<16xf32>,
      %add3A_551 = arith.constant 0 : i32
      %add3A_552 = arith.addi %add3A_551, %rem3A_442 : i32
      %add3A_553 = arith.constant 80 : i32
      %add3A_554 = arith.addi %add3A_552, %add3A_553 : i32
      %get3A_555 = arith.index_cast %add3A_554 : i32 to index
      %get3A_556 = tpu.vector_load %arg10[%get3A_555] {strides = array<i32>} : memref<4096xf32, #tpu.memory_space<vmem>>, vector<16xf32>,
      %add3A_557 = arith.constant 0 : i32
      %add3A_558 = arith.addi %add3A_557, %rem3A_442 : i32
      %add3A_559 = arith.constant 96 : i32
      %add3A_560 = arith.addi %add3A_558, %add3A_559 : i32
      %get3A_561 = arith.index_cast %add3A_560 : i32 to index
      %get3A_562 = tpu.vector_load %arg10[%get3A_561] {strides = array<i32>} : memref<4096xf32, #tpu.memory_space<vmem>>, vector<16xf32>,
      %add3A_563 = arith.constant 0 : i32
      %add3A_564 = arith.addi %add3A_563, %rem3A_442 : i32
      %add3A_565 = arith.constant 112 : i32
      %add3A_566 = arith.addi %add3A_564, %add3A_565 : i32
      %get3A_567 = arith.index_cast %add3A_566 : i32 to index
      %get3A_568 = tpu.vector_load %arg10[%get3A_567] {strides = array<i32>} : memref<4096xf32, #tpu.memory_space<vmem>>, vector<16xf32>,
      %add3A_569 = arith.constant 0 : i32
      %add3A_570 = arith.addi %add3A_569, %add3A_446 : i32
      %add3A_571 = vector.broadcast %add3A_570 : i32 to vector<16xi32>
      %add3A_572 = arith.addi %iota3A, %add3A_571 : vector<16xi32>
      %add3A_573 = arith.addf %gather3A, %get3A_526 : vector<16xf32>
      tpu.vector_store_idx %arg11[%add3A_572], %add3A_573 masked %ge3A_492 : memref<16384xf32, #tpu.memory_space<vmem>>[vector<16xi32>], vector<16xf32>, vector<16xi1>
      %add3A_574 = arith.constant 0 : i32
      %add3A_575 = arith.addi %add3A_574, %add3A_450 : i32
      %add3A_576 = vector.broadcast %add3A_575 : i32 to vector<16xi32>
      %add3A_577 = arith.addi %iota3A, %add3A_576 : vector<16xi32>
      %add3A_578 = arith.addf %gather3A_514, %get3A_532 : vector<16xf32>
      tpu.vector_store_idx %arg11[%add3A_577], %add3A_578 masked %ge3A_495 : memref<16384xf32, #tpu.memory_space<vmem>>[vector<16xi32>], vector<16xf32>, vector<16xi1>
      %add3A_579 = arith.constant 0 : i32
      %add3A_580 = arith.addi %add3A_579, %add3A_454 : i32
      %add3A_581 = vector.broadcast %add3A_580 : i32 to vector<16xi32>
      %add3A_582 = arith.addi %iota3A, %add3A_581 : vector<16xi32>
      %add3A_583 = arith.addf %gather3A_515, %get3A_538 : vector<16xf32>
      tpu.vector_store_idx %arg11[%add3A_582], %add3A_583 masked %ge3A_498 : memref<16384xf32, #tpu.memory_space<vmem>>[vector<16xi32>], vector<16xf32>, vector<16xi1>
      %add3A_584 = arith.constant 0 : i32
      %add3A_585 = arith.addi %add3A_584, %add3A_458 : i32
      %add3A_586 = vector.broadcast %add3A_585 : i32 to vector<16xi32>
      %add3A_587 = arith.addi %iota3A, %add3A_586 : vector<16xi32>
      %add3A_588 = arith.addf %gather3A_516, %get3A_544 : vector<16xf32>
      tpu.vector_store_idx %arg11[%add3A_587], %add3A_588 masked %ge3A_501 : memref<16384xf32, #tpu.memory_space<vmem>>[vector<16xi32>], vector<16xf32>, vector<16xi1>
      %add3A_589 = arith.constant 0 : i32
      %add3A_590 = arith.addi %add3A_589, %add3A_462 : i32
      %add3A_591 = vector.broadcast %add3A_590 : i32 to vector<16xi32>
      %add3A_592 = arith.addi %iota3A, %add3A_591 : vector<16xi32>
      %add3A_593 = arith.addf %gather3A_517, %get3A_550 : vector<16xf32>
      tpu.vector_store_idx %arg11[%add3A_592], %add3A_593 masked %ge3A_504 : memref<16384xf32, #tpu.memory_space<vmem>>[vector<16xi32>], vector<16xf32>, vector<16xi1>
      %add3A_594 = arith.constant 0 : i32
      %add3A_595 = arith.addi %add3A_594, %add3A_466 : i32
      %add3A_596 = vector.broadcast %add3A_595 : i32 to vector<16xi32>
      %add3A_597 = arith.addi %iota3A, %add3A_596 : vector<16xi32>
      %add3A_598 = arith.addf %gather3A_518, %get3A_556 : vector<16xf32>
      tpu.vector_store_idx %arg11[%add3A_597], %add3A_598 masked %ge3A_507 : memref<16384xf32, #tpu.memory_space<vmem>>[vector<16xi32>], vector<16xf32>, vector<16xi1>
      %add3A_599 = arith.constant 0 : i32
      %add3A_600 = arith.addi %add3A_599, %add3A_470 : i32
      %add3A_601 = vector.broadcast %add3A_600 : i32 to vector<16xi32>
      %add3A_602 = arith.addi %iota3A, %add3A_601 : vector<16xi32>
      %add3A_603 = arith.addf %gather3A_519, %get3A_562 : vector<16xf32>
      tpu.vector_store_idx %arg11[%add3A_602], %add3A_603 masked %ge3A_510 : memref<16384xf32, #tpu.memory_space<vmem>>[vector<16xi32>], vector<16xf32>, vector<16xi1>
      %add3A_604 = arith.constant 0 : i32
      %add3A_605 = arith.addi %add3A_604, %add3A_474 : i32
      %add3A_606 = vector.broadcast %add3A_605 : i32 to vector<16xi32>
      %add3A_607 = arith.addi %iota3A, %add3A_606 : vector<16xi32>
      %add3A_608 = arith.addf %gather3A_520, %get3A_568 : vector<16xf32>
      tpu.vector_store_idx %arg11[%add3A_607], %add3A_608 masked %ge3A_513 : memref<16384xf32, #tpu.memory_space<vmem>>[vector<16xi32>], vector<16xf32>, vector<16xi1>
    }
    %scan3A_148 = arith.constant 64 : i32
    %mul3A_149 = arith.constant 2 : i32
    %mul3A_150 = arith.muli %add3A, %mul3A_149 : i32
    %add3A_151 = arith.constant 0 : i32
    %add3A_152 = arith.addi %mul3A_150, %add3A_151 : i32
    %dma_start3A_153 = arith.constant 0 : i32
    %dma_start3A_154 = arith.constant 0 : i32
    %dma_start3A_155 = tpu.memref_slice %arg11[%dma_start3A_154] : memref<16384xf32, #tpu.memory_space<vmem>> -> memref<2048xf32, #tpu.memory_space<vmem>>
    %dma_start3A_156 = arith.constant 0 : i32
    %dma_start3A_157 = tpu.memref_slice %arg6[%dma_start3A_153, %add3A_152, %dma_start3A_156] : memref<4x64x2048xf32, #tpu.memory_space<hbm>> -> memref<1x1x2048xf32, #tpu.memory_space<hbm>>
    %dma_start3A_158 = tpu.memref_squeeze %dma_start3A_157 : memref<1x1x2048xf32, #tpu.memory_space<hbm>> -> memref<2048xf32, #tpu.memory_space<hbm>>
    %dma_start3A_159 = arith.constant 0 : i32
    %dma_start3A_160 = tpu.memref_slice %arg6[%dma_start3A_153, %add3A_152, %dma_start3A_159] : memref<4x64x2048xf32, #tpu.memory_space<hbm>> -> memref<1x1x2048xf32, #tpu.memory_space<hbm>>
    %dma_start3A_161 = tpu.memref_squeeze %dma_start3A_160 : memref<1x1x2048xf32, #tpu.memory_space<hbm>> -> memref<2048xf32, #tpu.memory_space<hbm>>
    %dma_start3A_162 = arith.constant 0 : i32
    %dma_start3A_163 = tpu.memref_slice %arg11[%dma_start3A_162] : memref<16384xf32, #tpu.memory_space<vmem>> -> memref<2048xf32, #tpu.memory_space<vmem>>
    tpu.enqueue_dma source(%dma_start3A_163 : memref<2048xf32, #tpu.memory_space<vmem>>) target(%dma_start3A_161 : memref<2048xf32, #tpu.memory_space<hbm>>) target_semaphore(%arg13 : memref<!tpu.dma_semaphore, #tpu.memory_space<semaphore_mem>>)
    %dma_start3A_164 = arith.constant 1 : i32
    %dma_start3A_165 = arith.constant 2048 : i32
    %dma_start3A_166 = tpu.memref_slice %arg11[%dma_start3A_165] : memref<16384xf32, #tpu.memory_space<vmem>> -> memref<2048xf32, #tpu.memory_space<vmem>>
    %dma_start3A_167 = arith.constant 0 : i32
    %dma_start3A_168 = tpu.memref_slice %arg6[%dma_start3A_164, %add3A_152, %dma_start3A_167] : memref<4x64x2048xf32, #tpu.memory_space<hbm>> -> memref<1x1x2048xf32, #tpu.memory_space<hbm>>
    %dma_start3A_169 = tpu.memref_squeeze %dma_start3A_168 : memref<1x1x2048xf32, #tpu.memory_space<hbm>> -> memref<2048xf32, #tpu.memory_space<hbm>>
    %dma_start3A_170 = arith.constant 0 : i32
    %dma_start3A_171 = tpu.memref_slice %arg6[%dma_start3A_164, %add3A_152, %dma_start3A_170] : memref<4x64x2048xf32, #tpu.memory_space<hbm>> -> memref<1x1x2048xf32, #tpu.memory_space<hbm>>
    %dma_start3A_172 = tpu.memref_squeeze %dma_start3A_171 : memref<1x1x2048xf32, #tpu.memory_space<hbm>> -> memref<2048xf32, #tpu.memory_space<hbm>>
    %dma_start3A_173 = arith.constant 2048 : i32
    %dma_start3A_174 = tpu.memref_slice %arg11[%dma_start3A_173] : memref<16384xf32, #tpu.memory_space<vmem>> -> memref<2048xf32, #tpu.memory_space<vmem>>
    tpu.enqueue_dma source(%dma_start3A_174 : memref<2048xf32, #tpu.memory_space<vmem>>) target(%dma_start3A_172 : memref<2048xf32, #tpu.memory_space<hbm>>) target_semaphore(%arg13 : memref<!tpu.dma_semaphore, #tpu.memory_space<semaphore_mem>>)
    %dma_start3A_175 = arith.constant 2 : i32
    %dma_start3A_176 = arith.constant 4096 : i32
    %dma_start3A_177 = tpu.memref_slice %arg11[%dma_start3A_176] : memref<16384xf32, #tpu.memory_space<vmem>> -> memref<2048xf32, #tpu.memory_space<vmem>>
    %dma_start3A_178 = arith.constant 0 : i32
    %dma_start3A_179 = tpu.memref_slice %arg6[%dma_start3A_175, %add3A_152, %dma_start3A_178] : memref<4x64x2048xf32, #tpu.memory_space<hbm>> -> memref<1x1x2048xf32, #tpu.memory_space<hbm>>
    %dma_start3A_180 = tpu.memref_squeeze %dma_start3A_179 : memref<1x1x2048xf32, #tpu.memory_space<hbm>> -> memref<2048xf32, #tpu.memory_space<hbm>>
    %dma_start3A_181 = arith.constant 0 : i32
    %dma_start3A_182 = tpu.memref_slice %arg6[%dma_start3A_175, %add3A_152, %dma_start3A_181] : memref<4x64x2048xf32, #tpu.memory_space<hbm>> -> memref<1x1x2048xf32, #tpu.memory_space<hbm>>
    %dma_start3A_183 = tpu.memref_squeeze %dma_start3A_182 : memref<1x1x2048xf32, #tpu.memory_space<hbm>> -> memref<2048xf32, #tpu.memory_space<hbm>>
    %dma_start3A_184 = arith.constant 4096 : i32
    %dma_start3A_185 = tpu.memref_slice %arg11[%dma_start3A_184] : memref<16384xf32, #tpu.memory_space<vmem>> -> memref<2048xf32, #tpu.memory_space<vmem>>
    tpu.enqueue_dma source(%dma_start3A_185 : memref<2048xf32, #tpu.memory_space<vmem>>) target(%dma_start3A_183 : memref<2048xf32, #tpu.memory_space<hbm>>) target_semaphore(%arg13 : memref<!tpu.dma_semaphore, #tpu.memory_space<semaphore_mem>>)
    %dma_start3A_186 = arith.constant 3 : i32
    %dma_start3A_187 = arith.constant 6144 : i32
    %dma_start3A_188 = tpu.memref_slice %arg11[%dma_start3A_187] : memref<16384xf32, #tpu.memory_space<vmem>> -> memref<2048xf32, #tpu.memory_space<vmem>>
    %dma_start3A_189 = arith.constant 0 : i32
    %dma_start3A_190 = tpu.memref_slice %arg6[%dma_start3A_186, %add3A_152, %dma_start3A_189] : memref<4x64x2048xf32, #tpu.memory_space<hbm>> -> memref<1x1x2048xf32, #tpu.memory_space<hbm>>
    %dma_start3A_191 = tpu.memref_squeeze %dma_start3A_190 : memref<1x1x2048xf32, #tpu.memory_space<hbm>> -> memref<2048xf32, #tpu.memory_space<hbm>>
    %dma_start3A_192 = arith.constant 0 : i32
    %dma_start3A_193 = tpu.memref_slice %arg6[%dma_start3A_186, %add3A_152, %dma_start3A_192] : memref<4x64x2048xf32, #tpu.memory_space<hbm>> -> memref<1x1x2048xf32, #tpu.memory_space<hbm>>
    %dma_start3A_194 = tpu.memref_squeeze %dma_start3A_193 : memref<1x1x2048xf32, #tpu.memory_space<hbm>> -> memref<2048xf32, #tpu.memory_space<hbm>>
    %dma_start3A_195 = arith.constant 6144 : i32
    %dma_start3A_196 = tpu.memref_slice %arg11[%dma_start3A_195] : memref<16384xf32, #tpu.memory_space<vmem>> -> memref<2048xf32, #tpu.memory_space<vmem>>
    tpu.enqueue_dma source(%dma_start3A_196 : memref<2048xf32, #tpu.memory_space<vmem>>) target(%dma_start3A_194 : memref<2048xf32, #tpu.memory_space<hbm>>) target_semaphore(%arg13 : memref<!tpu.dma_semaphore, #tpu.memory_space<semaphore_mem>>)
    %dma_wait3A_197 = arith.constant 0 : i32
    %dma_wait3A_198 = tpu.memref_slice %arg8[%dma_wait3A_197] : memref<100000xf32, #tpu.memory_space<vmem>> -> memref<51200xf32, #tpu.memory_space<vmem>>
    %dma_wait3A_199 = arith.constant 0 : i32
    %dma_wait3A_200 = tpu.memref_slice %arg3[%add3A_98, %dma_wait3A_199] : memref<64x100000xf32, #tpu.memory_space<hbm>> -> memref<1x100000xf32, #tpu.memory_space<hbm>>
    %dma_wait3A_201 = tpu.memref_squeeze %dma_wait3A_200 : memref<1x100000xf32, #tpu.memory_space<hbm>> -> memref<100000xf32, #tpu.memory_space<hbm>>
    %dma_wait3A_202 = arith.constant 0 : i32
    %dma_wait3A_203 = tpu.memref_slice %dma_wait3A_201[%dma_wait3A_202] : memref<100000xf32, #tpu.memory_space<hbm>> -> memref<51200xf32, #tpu.memory_space<hbm>>
    %dma_wait3A_204 = arith.constant 0 : i32
    %dma_wait3A_205 = tpu.memref_slice %arg8[%dma_wait3A_204] : memref<100000xf32, #tpu.memory_space<vmem>> -> memref<51200xf32, #tpu.memory_space<vmem>>
    %dma_wait3A_206 = arith.constant 0 : i32
    %dma_wait3A_207 = tpu.memref_slice %arg3[%add3A_98, %dma_wait3A_206] : memref<64x100000xf32, #tpu.memory_space<hbm>> -> memref<1x100000xf32, #tpu.memory_space<hbm>>
    %dma_wait3A_208 = tpu.memref_squeeze %dma_wait3A_207 : memref<1x100000xf32, #tpu.memory_space<hbm>> -> memref<100000xf32, #tpu.memory_space<hbm>>
    %dma_wait3A_209 = arith.constant 0 : i32
    %dma_wait3A_210 = tpu.memref_slice %dma_wait3A_208[%dma_wait3A_209] : memref<100000xf32, #tpu.memory_space<hbm>> -> memref<51200xf32, #tpu.memory_space<hbm>>
    tpu.wait_dma2 semaphore(%arg12 : memref<!tpu.dma_semaphore, #tpu.memory_space<semaphore_mem>>) src(%dma_wait3A_210 : memref<51200xf32, #tpu.memory_space<hbm>>) dst(%dma_wait3A_205 : memref<51200xf32, #tpu.memory_space<vmem>>)
    %mul3A_211 = arith.constant 2 : i32
    %mul3A_212 = arith.muli %add3A, %mul3A_211 : i32
    %add3A_213 = arith.constant 1 : i32
    %add3A_214 = arith.addi %mul3A_212, %add3A_213 : i32
    %dma_start3A_215 = arith.constant 51200 : i32
    %dma_start3A_216 = tpu.memref_slice %arg8[%dma_start3A_215] : memref<100000xf32, #tpu.memory_space<vmem>> -> memref<48768xf32, #tpu.memory_space<vmem>>
    %dma_start3A_217 = arith.constant 0 : i32
    %dma_start3A_218 = tpu.memref_slice %arg3[%add3A_214, %dma_start3A_217] : memref<64x100000xf32, #tpu.memory_space<hbm>> -> memref<1x100000xf32, #tpu.memory_space<hbm>>
    %dma_start3A_219 = tpu.memref_squeeze %dma_start3A_218 : memref<1x100000xf32, #tpu.memory_space<hbm>> -> memref<100000xf32, #tpu.memory_space<hbm>>
    %dma_start3A_220 = arith.constant 51200 : i32
    %dma_start3A_221 = tpu.memref_slice %dma_start3A_219[%dma_start3A_220] : memref<100000xf32, #tpu.memory_space<hbm>> -> memref<48768xf32, #tpu.memory_space<hbm>>
    %dma_start3A_222 = arith.constant 51200 : i32
    %dma_start3A_223 = tpu.memref_slice %arg8[%dma_start3A_222] : memref<100000xf32, #tpu.memory_space<vmem>> -> memref<48768xf32, #tpu.memory_space<vmem>>
    %dma_start3A_224 = arith.constant 0 : i32
    %dma_start3A_225 = tpu.memref_slice %arg3[%add3A_214, %dma_start3A_224] : memref<64x100000xf32, #tpu.memory_space<hbm>> -> memref<1x100000xf32, #tpu.memory_space<hbm>>
    %dma_start3A_226 = tpu.memref_squeeze %dma_start3A_225 : memref<1x100000xf32, #tpu.memory_space<hbm>> -> memref<100000xf32, #tpu.memory_space<hbm>>
    %dma_start3A_227 = arith.constant 51200 : i32
    %dma_start3A_228 = tpu.memref_slice %dma_start3A_226[%dma_start3A_227] : memref<100000xf32, #tpu.memory_space<hbm>> -> memref<48768xf32, #tpu.memory_space<hbm>>
    tpu.enqueue_dma source(%dma_start3A_228 : memref<48768xf32, #tpu.memory_space<hbm>>) target(%dma_start3A_223 : memref<48768xf32, #tpu.memory_space<vmem>>) target_semaphore(%arg12 : memref<!tpu.dma_semaphore, #tpu.memory_space<semaphore_mem>>)
    %mul3A_229 = arith.constant 2 : i32
    %mul3A_230 = arith.muli %add3A, %mul3A_229 : i32
    %add3A_231 = arith.constant 1 : i32
    %add3A_232 = arith.addi %mul3A_230, %add3A_231 : i32
    %dma_start3A_233 = arith.constant 0 : i32
    %dma_start3A_234 = tpu.memref_slice %arg5[%add3A_232, %dma_start3A_233] : memref<64x128xf32, #tpu.memory_space<hbm>> -> memref<1x128xf32, #tpu.memory_space<hbm>>
    %dma_start3A_235 = tpu.memref_squeeze %dma_start3A_234 : memref<1x128xf32, #tpu.memory_space<hbm>> -> memref<128xf32, #tpu.memory_space<hbm>>
    %dma_start3A_236 = arith.constant 0 : i32
    %dma_start3A_237 = tpu.memref_slice %arg5[%add3A_232, %dma_start3A_236] : memref<64x128xf32, #tpu.memory_space<hbm>> -> memref<1x128xf32, #tpu.memory_space<hbm>>
    %dma_start3A_238 = tpu.memref_squeeze %dma_start3A_237 : memref<1x128xf32, #tpu.memory_space<hbm>> -> memref<128xf32, #tpu.memory_space<hbm>>
    tpu.enqueue_dma source(%dma_start3A_238 : memref<128xf32, #tpu.memory_space<hbm>>) target(%arg9 : memref<128xf32, #tpu.memory_space<vmem>>) target_semaphore(%arg12 : memref<!tpu.dma_semaphore, #tpu.memory_space<semaphore_mem>>)
    %scan3A_239 = arith.constant 0 : i32
    %scan3A_240 = arith.constant 0 : i32
    %scan3A_241 = arith.constant 64 : i32
    %scan3A_242 = arith.addi %scan3A_240, %scan3A_241 : i32
    %scan3A_243 = arith.constant 1 : i32
    scf.for %scan3A_439 = %scan3A_240 to %scan3A_242 step %scan3A_243  : i32 {
      %mul3A_440 = arith.constant 128 : i32
      %mul3A_441 = arith.muli %scan3A_439, %mul3A_440 : i32
      %rem3A = arith.constant 2048 : i32
      %rem3A_442 = arith.remsi %mul3A_441, %rem3A : i32
      %mul3A_443 = arith.constant 128 : i32
      %mul3A_444 = arith.muli %scan3A_439, %mul3A_443 : i32
      %add3A_445 = arith.constant 0 : i32
      %add3A_446 = arith.addi %mul3A_444, %add3A_445 : i32
      %mul3A_447 = arith.constant 128 : i32
      %mul3A_448 = arith.muli %scan3A_439, %mul3A_447 : i32
      %add3A_449 = arith.constant 16 : i32
      %add3A_450 = arith.addi %mul3A_448, %add3A_449 : i32
      %mul3A_451 = arith.constant 128 : i32
      %mul3A_452 = arith.muli %scan3A_439, %mul3A_451 : i32
      %add3A_453 = arith.constant 32 : i32
      %add3A_454 = arith.addi %mul3A_452, %add3A_453 : i32
      %mul3A_455 = arith.constant 128 : i32
      %mul3A_456 = arith.muli %scan3A_439, %mul3A_455 : i32
      %add3A_457 = arith.constant 48 : i32
      %add3A_458 = arith.addi %mul3A_456, %add3A_457 : i32
      %mul3A_459 = arith.constant 128 : i32
      %mul3A_460 = arith.muli %scan3A_439, %mul3A_459 : i32
      %add3A_461 = arith.constant 64 : i32
      %add3A_462 = arith.addi %mul3A_460, %add3A_461 : i32
      %mul3A_463 = arith.constant 128 : i32
      %mul3A_464 = arith.muli %scan3A_439, %mul3A_463 : i32
      %add3A_465 = arith.constant 80 : i32
      %add3A_466 = arith.addi %mul3A_464, %add3A_465 : i32
      %mul3A_467 = arith.constant 128 : i32
      %mul3A_468 = arith.muli %scan3A_439, %mul3A_467 : i32
      %add3A_469 = arith.constant 96 : i32
      %add3A_470 = arith.addi %mul3A_468, %add3A_469 : i32
      %mul3A_471 = arith.constant 128 : i32
      %mul3A_472 = arith.muli %scan3A_439, %mul3A_471 : i32
      %add3A_473 = arith.constant 112 : i32
      %add3A_474 = arith.addi %mul3A_472, %add3A_473 : i32
      %get3A_475 = arith.index_cast %add3A_446 : i32 to index
      %get3A_476 = tpu.vector_load %arg7[%get3A_475] {strides = array<i32>} : memref<8192xi32, #tpu.memory_space<vmem>>, vector<16xi32>,
      %get3A_477 = arith.index_cast %add3A_450 : i32 to index
      %get3A_478 = tpu.vector_load %arg7[%get3A_477] {strides = array<i32>} : memref<8192xi32, #tpu.memory_space<vmem>>, vector<16xi32>,
      %get3A_479 = arith.index_cast %add3A_454 : i32 to index
      %get3A_480 = tpu.vector_load %arg7[%get3A_479] {strides = array<i32>} : memref<8192xi32, #tpu.memory_space<vmem>>, vector<16xi32>,
      %get3A_481 = arith.index_cast %add3A_458 : i32 to index
      %get3A_482 = tpu.vector_load %arg7[%get3A_481] {strides = array<i32>} : memref<8192xi32, #tpu.memory_space<vmem>>, vector<16xi32>,
      %get3A_483 = arith.index_cast %add3A_462 : i32 to index
      %get3A_484 = tpu.vector_load %arg7[%get3A_483] {strides = array<i32>} : memref<8192xi32, #tpu.memory_space<vmem>>, vector<16xi32>,
      %get3A_485 = arith.index_cast %add3A_466 : i32 to index
      %get3A_486 = tpu.vector_load %arg7[%get3A_485] {strides = array<i32>} : memref<8192xi32, #tpu.memory_space<vmem>>, vector<16xi32>,
      %get3A_487 = arith.index_cast %add3A_470 : i32 to index
      %get3A_488 = tpu.vector_load %arg7[%get3A_487] {strides = array<i32>} : memref<8192xi32, #tpu.memory_space<vmem>>, vector<16xi32>,
      %get3A_489 = arith.index_cast %add3A_474 : i32 to index
      %get3A_490 = tpu.vector_load %arg7[%get3A_489] {strides = array<i32>} : memref<8192xi32, #tpu.memory_space<vmem>>, vector<16xi32>,
      %lt3A = arith.constant 51200 : i32
      %lt3A_491 = vector.broadcast %lt3A : i32 to vector<16xi32>
      %lt3A_492 = arith.cmpi slt, %get3A_476, %lt3A_491 : vector<16xi32>
      %lt3A_493 = arith.constant 51200 : i32
      %lt3A_494 = vector.broadcast %lt3A_493 : i32 to vector<16xi32>
      %lt3A_495 = arith.cmpi slt, %get3A_478, %lt3A_494 : vector<16xi32>
      %lt3A_496 = arith.constant 51200 : i32
      %lt3A_497 = vector.broadcast %lt3A_496 : i32 to vector<16xi32>
      %lt3A_498 = arith.cmpi slt, %get3A_480, %lt3A_497 : vector<16xi32>
      %lt3A_499 = arith.constant 51200 : i32
      %lt3A_500 = vector.broadcast %lt3A_499 : i32 to vector<16xi32>
      %lt3A_501 = arith.cmpi slt, %get3A_482, %lt3A_500 : vector<16xi32>
      %lt3A_502 = arith.constant 51200 : i32
      %lt3A_503 = vector.broadcast %lt3A_502 : i32 to vector<16xi32>
      %lt3A_504 = arith.cmpi slt, %get3A_484, %lt3A_503 : vector<16xi32>
      %lt3A_505 = arith.constant 51200 : i32
      %lt3A_506 = vector.broadcast %lt3A_505 : i32 to vector<16xi32>
      %lt3A_507 = arith.cmpi slt, %get3A_486, %lt3A_506 : vector<16xi32>
      %lt3A_508 = arith.constant 51200 : i32
      %lt3A_509 = vector.broadcast %lt3A_508 : i32 to vector<16xi32>
      %lt3A_510 = arith.cmpi slt, %get3A_488, %lt3A_509 : vector<16xi32>
      %lt3A_511 = arith.constant 51200 : i32
      %lt3A_512 = vector.broadcast %lt3A_511 : i32 to vector<16xi32>
      %lt3A_513 = arith.cmpi slt, %get3A_490, %lt3A_512 : vector<16xi32>
      %gather3A = tpu.vector_load_idx %arg8[%get3A_476] masked %lt3A_492 : memref<100000xf32, #tpu.memory_space<vmem>>[vector<16xi32>], vector<16xf32>, vector<16xi1>
      %gather3A_514 = tpu.vector_load_idx %arg8[%get3A_478] masked %lt3A_495 : memref<100000xf32, #tpu.memory_space<vmem>>[vector<16xi32>], vector<16xf32>, vector<16xi1>
      %gather3A_515 = tpu.vector_load_idx %arg8[%get3A_480] masked %lt3A_498 : memref<100000xf32, #tpu.memory_space<vmem>>[vector<16xi32>], vector<16xf32>, vector<16xi1>
      %gather3A_516 = tpu.vector_load_idx %arg8[%get3A_482] masked %lt3A_501 : memref<100000xf32, #tpu.memory_space<vmem>>[vector<16xi32>], vector<16xf32>, vector<16xi1>
      %gather3A_517 = tpu.vector_load_idx %arg8[%get3A_484] masked %lt3A_504 : memref<100000xf32, #tpu.memory_space<vmem>>[vector<16xi32>], vector<16xf32>, vector<16xi1>
      %gather3A_518 = tpu.vector_load_idx %arg8[%get3A_486] masked %lt3A_507 : memref<100000xf32, #tpu.memory_space<vmem>>[vector<16xi32>], vector<16xf32>, vector<16xi1>
      %gather3A_519 = tpu.vector_load_idx %arg8[%get3A_488] masked %lt3A_510 : memref<100000xf32, #tpu.memory_space<vmem>>[vector<16xi32>], vector<16xf32>, vector<16xi1>
      %gather3A_520 = tpu.vector_load_idx %arg8[%get3A_490] masked %lt3A_513 : memref<100000xf32, #tpu.memory_space<vmem>>[vector<16xi32>], vector<16xf32>, vector<16xi1>
      %add3A_521 = arith.constant 2048 : i32
      %add3A_522 = arith.addi %add3A_521, %rem3A_442 : i32
      %add3A_523 = arith.constant 0 : i32
      %add3A_524 = arith.addi %add3A_522, %add3A_523 : i32
      %get3A_525 = arith.index_cast %add3A_524 : i32 to index
      %get3A_526 = tpu.vector_load %arg10[%get3A_525] {strides = array<i32>} : memref<4096xf32, #tpu.memory_space<vmem>>, vector<16xf32>,
      %add3A_527 = arith.constant 2048 : i32
      %add3A_528 = arith.addi %add3A_527, %rem3A_442 : i32
      %add3A_529 = arith.constant 16 : i32
      %add3A_530 = arith.addi %add3A_528, %add3A_529 : i32
      %get3A_531 = arith.index_cast %add3A_530 : i32 to index
      %get3A_532 = tpu.vector_load %arg10[%get3A_531] {strides = array<i32>} : memref<4096xf32, #tpu.memory_space<vmem>>, vector<16xf32>,
      %add3A_533 = arith.constant 2048 : i32
      %add3A_534 = arith.addi %add3A_533, %rem3A_442 : i32
      %add3A_535 = arith.constant 32 : i32
      %add3A_536 = arith.addi %add3A_534, %add3A_535 : i32
      %get3A_537 = arith.index_cast %add3A_536 : i32 to index
      %get3A_538 = tpu.vector_load %arg10[%get3A_537] {strides = array<i32>} : memref<4096xf32, #tpu.memory_space<vmem>>, vector<16xf32>,
      %add3A_539 = arith.constant 2048 : i32
      %add3A_540 = arith.addi %add3A_539, %rem3A_442 : i32
      %add3A_541 = arith.constant 48 : i32
      %add3A_542 = arith.addi %add3A_540, %add3A_541 : i32
      %get3A_543 = arith.index_cast %add3A_542 : i32 to index
      %get3A_544 = tpu.vector_load %arg10[%get3A_543] {strides = array<i32>} : memref<4096xf32, #tpu.memory_space<vmem>>, vector<16xf32>,
      %add3A_545 = arith.constant 2048 : i32
      %add3A_546 = arith.addi %add3A_545, %rem3A_442 : i32
      %add3A_547 = arith.constant 64 : i32
      %add3A_548 = arith.addi %add3A_546, %add3A_547 : i32
      %get3A_549 = arith.index_cast %add3A_548 : i32 to index
      %get3A_550 = tpu.vector_load %arg10[%get3A_549] {strides = array<i32>} : memref<4096xf32, #tpu.memory_space<vmem>>, vector<16xf32>,
      %add3A_551 = arith.constant 2048 : i32
      %add3A_552 = arith.addi %add3A_551, %rem3A_442 : i32
      %add3A_553 = arith.constant 80 : i32
      %add3A_554 = arith.addi %add3A_552, %add3A_553 : i32
      %get3A_555 = arith.index_cast %add3A_554 : i32 to index
      %get3A_556 = tpu.vector_load %arg10[%get3A_555] {strides = array<i32>} : memref<4096xf32, #tpu.memory_space<vmem>>, vector<16xf32>,
      %add3A_557 = arith.constant 2048 : i32
      %add3A_558 = arith.addi %add3A_557, %rem3A_442 : i32
      %add3A_559 = arith.constant 96 : i32
      %add3A_560 = arith.addi %add3A_558, %add3A_559 : i32
      %get3A_561 = arith.index_cast %add3A_560 : i32 to index
      %get3A_562 = tpu.vector_load %arg10[%get3A_561] {strides = array<i32>} : memref<4096xf32, #tpu.memory_space<vmem>>, vector<16xf32>,
      %add3A_563 = arith.constant 2048 : i32
      %add3A_564 = arith.addi %add3A_563, %rem3A_442 : i32
      %add3A_565 = arith.constant 112 : i32
      %add3A_566 = arith.addi %add3A_564, %add3A_565 : i32
      %get3A_567 = arith.index_cast %add3A_566 : i32 to index
      %get3A_568 = tpu.vector_load %arg10[%get3A_567] {strides = array<i32>} : memref<4096xf32, #tpu.memory_space<vmem>>, vector<16xf32>,
      %add3A_569 = arith.addf %gather3A, %get3A_526 : vector<16xf32>
      %add3A_570 = arith.constant 8192 : i32
      %add3A_571 = arith.addi %add3A_570, %add3A_446 : i32
      %swap3A_572 = arith.index_cast %add3A_571 : i32 to index
      %swap3A_573 = tpu.vector_load %arg11[%swap3A_572] {strides = array<i32>} : memref<16384xf32, #tpu.memory_space<vmem>>, vector<16xf32>,
      tpu.vector_store %arg11[%swap3A_572], %add3A_569 {strides = array<i32>} : memref<16384xf32, #tpu.memory_space<vmem>>, vector<16xf32>,
      %add3A_574 = arith.addf %gather3A_514, %get3A_532 : vector<16xf32>
      %add3A_575 = arith.constant 8192 : i32
      %add3A_576 = arith.addi %add3A_575, %add3A_450 : i32
      %swap3A_577 = arith.index_cast %add3A_576 : i32 to index
      %swap3A_578 = tpu.vector_load %arg11[%swap3A_577] {strides = array<i32>} : memref<16384xf32, #tpu.memory_space<vmem>>, vector<16xf32>,
      tpu.vector_store %arg11[%swap3A_577], %add3A_574 {strides = array<i32>} : memref<16384xf32, #tpu.memory_space<vmem>>, vector<16xf32>,
      %add3A_579 = arith.addf %gather3A_515, %get3A_538 : vector<16xf32>
      %add3A_580 = arith.constant 8192 : i32
      %add3A_581 = arith.addi %add3A_580, %add3A_454 : i32
      %swap3A_582 = arith.index_cast %add3A_581 : i32 to index
      %swap3A_583 = tpu.vector_load %arg11[%swap3A_582] {strides = array<i32>} : memref<16384xf32, #tpu.memory_space<vmem>>, vector<16xf32>,
      tpu.vector_store %arg11[%swap3A_582], %add3A_579 {strides = array<i32>} : memref<16384xf32, #tpu.memory_space<vmem>>, vector<16xf32>,
      %add3A_584 = arith.addf %gather3A_516, %get3A_544 : vector<16xf32>
      %add3A_585 = arith.constant 8192 : i32
      %add3A_586 = arith.addi %add3A_585, %add3A_458 : i32
      %swap3A_587 = arith.index_cast %add3A_586 : i32 to index
      %swap3A_588 = tpu.vector_load %arg11[%swap3A_587] {strides = array<i32>} : memref<16384xf32, #tpu.memory_space<vmem>>, vector<16xf32>,
      tpu.vector_store %arg11[%swap3A_587], %add3A_584 {strides = array<i32>} : memref<16384xf32, #tpu.memory_space<vmem>>, vector<16xf32>,
      %add3A_589 = arith.addf %gather3A_517, %get3A_550 : vector<16xf32>
      %add3A_590 = arith.constant 8192 : i32
      %add3A_591 = arith.addi %add3A_590, %add3A_462 : i32
      %swap3A_592 = arith.index_cast %add3A_591 : i32 to index
      %swap3A_593 = tpu.vector_load %arg11[%swap3A_592] {strides = array<i32>} : memref<16384xf32, #tpu.memory_space<vmem>>, vector<16xf32>,
      tpu.vector_store %arg11[%swap3A_592], %add3A_589 {strides = array<i32>} : memref<16384xf32, #tpu.memory_space<vmem>>, vector<16xf32>,
      %add3A_594 = arith.addf %gather3A_518, %get3A_556 : vector<16xf32>
      %add3A_595 = arith.constant 8192 : i32
      %add3A_596 = arith.addi %add3A_595, %add3A_466 : i32
      %swap3A_597 = arith.index_cast %add3A_596 : i32 to index
      %swap3A_598 = tpu.vector_load %arg11[%swap3A_597] {strides = array<i32>} : memref<16384xf32, #tpu.memory_space<vmem>>, vector<16xf32>,
      tpu.vector_store %arg11[%swap3A_597], %add3A_594 {strides = array<i32>} : memref<16384xf32, #tpu.memory_space<vmem>>, vector<16xf32>,
      %add3A_599 = arith.addf %gather3A_519, %get3A_562 : vector<16xf32>
      %add3A_600 = arith.constant 8192 : i32
      %add3A_601 = arith.addi %add3A_600, %add3A_470 : i32
      %swap3A_602 = arith.index_cast %add3A_601 : i32 to index
      %swap3A_603 = tpu.vector_load %arg11[%swap3A_602] {strides = array<i32>} : memref<16384xf32, #tpu.memory_space<vmem>>, vector<16xf32>,
      tpu.vector_store %arg11[%swap3A_602], %add3A_599 {strides = array<i32>} : memref<16384xf32, #tpu.memory_space<vmem>>, vector<16xf32>,
      %add3A_604 = arith.addf %gather3A_520, %get3A_568 : vector<16xf32>
      %add3A_605 = arith.constant 8192 : i32
      %add3A_606 = arith.addi %add3A_605, %add3A_474 : i32
      %swap3A_607 = arith.index_cast %add3A_606 : i32 to index
      %swap3A_608 = tpu.vector_load %arg11[%swap3A_607] {strides = array<i32>} : memref<16384xf32, #tpu.memory_space<vmem>>, vector<16xf32>,
      tpu.vector_store %arg11[%swap3A_607], %add3A_604 {strides = array<i32>} : memref<16384xf32, #tpu.memory_space<vmem>>, vector<16xf32>,
    }
    %scan3A_244 = arith.constant 64 : i32
    %dma_wait3A_245 = arith.constant 51200 : i32
    %dma_wait3A_246 = tpu.memref_slice %arg8[%dma_wait3A_245] : memref<100000xf32, #tpu.memory_space<vmem>> -> memref<48768xf32, #tpu.memory_space<vmem>>
    %dma_wait3A_247 = arith.constant 0 : i32
    %dma_wait3A_248 = tpu.memref_slice %arg3[%add3A_214, %dma_wait3A_247] : memref<64x100000xf32, #tpu.memory_space<hbm>> -> memref<1x100000xf32, #tpu.memory_space<hbm>>
    %dma_wait3A_249 = tpu.memref_squeeze %dma_wait3A_248 : memref<1x100000xf32, #tpu.memory_space<hbm>> -> memref<100000xf32, #tpu.memory_space<hbm>>
    %dma_wait3A_250 = arith.constant 51200 : i32
    %dma_wait3A_251 = tpu.memref_slice %dma_wait3A_249[%dma_wait3A_250] : memref<100000xf32, #tpu.memory_space<hbm>> -> memref<48768xf32, #tpu.memory_space<hbm>>
    %dma_wait3A_252 = arith.constant 51200 : i32
    %dma_wait3A_253 = tpu.memref_slice %arg8[%dma_wait3A_252] : memref<100000xf32, #tpu.memory_space<vmem>> -> memref<48768xf32, #tpu.memory_space<vmem>>
    %dma_wait3A_254 = arith.constant 0 : i32
    %dma_wait3A_255 = tpu.memref_slice %arg3[%add3A_214, %dma_wait3A_254] : memref<64x100000xf32, #tpu.memory_space<hbm>> -> memref<1x100000xf32, #tpu.memory_space<hbm>>
    %dma_wait3A_256 = tpu.memref_squeeze %dma_wait3A_255 : memref<1x100000xf32, #tpu.memory_space<hbm>> -> memref<100000xf32, #tpu.memory_space<hbm>>
    %dma_wait3A_257 = arith.constant 51200 : i32
    %dma_wait3A_258 = tpu.memref_slice %dma_wait3A_256[%dma_wait3A_257] : memref<100000xf32, #tpu.memory_space<hbm>> -> memref<48768xf32, #tpu.memory_space<hbm>>
    tpu.wait_dma2 semaphore(%arg12 : memref<!tpu.dma_semaphore, #tpu.memory_space<semaphore_mem>>) src(%dma_wait3A_258 : memref<48768xf32, #tpu.memory_space<hbm>>) dst(%dma_wait3A_253 : memref<48768xf32, #tpu.memory_space<vmem>>)
    %dma_wait3A_259 = arith.constant 0 : i32
    %dma_wait3A_260 = tpu.memref_slice %arg5[%add3A_232, %dma_wait3A_259] : memref<64x128xf32, #tpu.memory_space<hbm>> -> memref<1x128xf32, #tpu.memory_space<hbm>>
    %dma_wait3A_261 = tpu.memref_squeeze %dma_wait3A_260 : memref<1x128xf32, #tpu.memory_space<hbm>> -> memref<128xf32, #tpu.memory_space<hbm>>
    %dma_wait3A_262 = arith.constant 0 : i32
    %dma_wait3A_263 = tpu.memref_slice %arg5[%add3A_232, %dma_wait3A_262] : memref<64x128xf32, #tpu.memory_space<hbm>> -> memref<1x128xf32, #tpu.memory_space<hbm>>
    %dma_wait3A_264 = tpu.memref_squeeze %dma_wait3A_263 : memref<1x128xf32, #tpu.memory_space<hbm>> -> memref<128xf32, #tpu.memory_space<hbm>>
    tpu.wait_dma2 semaphore(%arg12 : memref<!tpu.dma_semaphore, #tpu.memory_space<semaphore_mem>>) src(%dma_wait3A_264 : memref<128xf32, #tpu.memory_space<hbm>>) dst(%arg9 : memref<128xf32, #tpu.memory_space<vmem>>)
    %get3A_265 = arith.constant 0 : index
    %get3A_266 = tpu.vector_load %arg9[%get3A_265] {strides = array<i32>} : memref<128xf32, #tpu.memory_space<vmem>>, vector<16xf32>,
    %swap3A_267 = arith.constant 99872 : index
    %swap3A_268 = tpu.vector_load %arg8[%swap3A_267] {strides = array<i32>} : memref<100000xf32, #tpu.memory_space<vmem>>, vector<16xf32>,
    tpu.vector_store %arg8[%swap3A_267], %get3A_266 {strides = array<i32>} : memref<100000xf32, #tpu.memory_space<vmem>>, vector<16xf32>,
    %get3A_269 = arith.constant 16 : index
    %get3A_270 = tpu.vector_load %arg9[%get3A_269] {strides = array<i32>} : memref<128xf32, #tpu.memory_space<vmem>>, vector<16xf32>,
    %swap3A_271 = arith.constant 99888 : index
    %swap3A_272 = tpu.vector_load %arg8[%swap3A_271] {strides = array<i32>} : memref<100000xf32, #tpu.memory_space<vmem>>, vector<16xf32>,
    tpu.vector_store %arg8[%swap3A_271], %get3A_270 {strides = array<i32>} : memref<100000xf32, #tpu.memory_space<vmem>>, vector<16xf32>,
    %get3A_273 = arith.constant 32 : index
    %get3A_274 = tpu.vector_load %arg9[%get3A_273] {strides = array<i32>} : memref<128xf32, #tpu.memory_space<vmem>>, vector<16xf32>,
    %swap3A_275 = arith.constant 99904 : index
    %swap3A_276 = tpu.vector_load %arg8[%swap3A_275] {strides = array<i32>} : memref<100000xf32, #tpu.memory_space<vmem>>, vector<16xf32>,
    tpu.vector_store %arg8[%swap3A_275], %get3A_274 {strides = array<i32>} : memref<100000xf32, #tpu.memory_space<vmem>>, vector<16xf32>,
    %get3A_277 = arith.constant 48 : index
    %get3A_278 = tpu.vector_load %arg9[%get3A_277] {strides = array<i32>} : memref<128xf32, #tpu.memory_space<vmem>>, vector<16xf32>,
    %swap3A_279 = arith.constant 99920 : index
    %swap3A_280 = tpu.vector_load %arg8[%swap3A_279] {strides = array<i32>} : memref<100000xf32, #tpu.memory_space<vmem>>, vector<16xf32>,
    tpu.vector_store %arg8[%swap3A_279], %get3A_278 {strides = array<i32>} : memref<100000xf32, #tpu.memory_space<vmem>>, vector<16xf32>,
    %get3A_281 = arith.constant 64 : index
    %get3A_282 = tpu.vector_load %arg9[%get3A_281] {strides = array<i32>} : memref<128xf32, #tpu.memory_space<vmem>>, vector<16xf32>,
    %swap3A_283 = arith.constant 99936 : index
    %swap3A_284 = tpu.vector_load %arg8[%swap3A_283] {strides = array<i32>} : memref<100000xf32, #tpu.memory_space<vmem>>, vector<16xf32>,
    tpu.vector_store %arg8[%swap3A_283], %get3A_282 {strides = array<i32>} : memref<100000xf32, #tpu.memory_space<vmem>>, vector<16xf32>,
    %get3A_285 = arith.constant 80 : index
    %get3A_286 = tpu.vector_load %arg9[%get3A_285] {strides = array<i32>} : memref<128xf32, #tpu.memory_space<vmem>>, vector<16xf32>,
    %swap3A_287 = arith.constant 99952 : index
    %swap3A_288 = tpu.vector_load %arg8[%swap3A_287] {strides = array<i32>} : memref<100000xf32, #tpu.memory_space<vmem>>, vector<16xf32>,
    tpu.vector_store %arg8[%swap3A_287], %get3A_286 {strides = array<i32>} : memref<100000xf32, #tpu.memory_space<vmem>>, vector<16xf32>,
    %get3A_289 = arith.constant 96 : index
    %get3A_290 = tpu.vector_load %arg9[%get3A_289] {strides = array<i32>} : memref<128xf32, #tpu.memory_space<vmem>>, vector<16xf32>,
    %swap3A_291 = arith.constant 99968 : index
    %swap3A_292 = tpu.vector_load %arg8[%swap3A_291] {strides = array<i32>} : memref<100000xf32, #tpu.memory_space<vmem>>, vector<16xf32>,
    tpu.vector_store %arg8[%swap3A_291], %get3A_290 {strides = array<i32>} : memref<100000xf32, #tpu.memory_space<vmem>>, vector<16xf32>,
    %get3A_293 = arith.constant 112 : index
    %get3A_294 = tpu.vector_load %arg9[%get3A_293] {strides = array<i32>} : memref<128xf32, #tpu.memory_space<vmem>>, vector<16xf32>,
    %swap3A_295 = arith.constant 99984 : index
    %swap3A_296 = tpu.vector_load %arg8[%swap3A_295] {strides = array<i32>} : memref<100000xf32, #tpu.memory_space<vmem>>, vector<16xf32>,
    tpu.vector_store %arg8[%swap3A_295], %get3A_294 {strides = array<i32>} : memref<100000xf32, #tpu.memory_space<vmem>>, vector<16xf32>,
    %scan3A_297 = arith.constant 0 : i32
    %scan3A_298 = arith.constant 0 : i32
    %scan3A_299 = arith.constant 64 : i32
    %scan3A_300 = arith.addi %scan3A_298, %scan3A_299 : i32
    %scan3A_301 = arith.constant 1 : i32
    scf.for %scan3A_439 = %scan3A_298 to %scan3A_300 step %scan3A_301  : i32 {
      %mul3A_440 = arith.constant 128 : i32
      %mul3A_441 = arith.muli %scan3A_439, %mul3A_440 : i32
      %rem3A = arith.constant 2048 : i32
      %rem3A_442 = arith.remsi %mul3A_441, %rem3A : i32
      %mul3A_443 = arith.constant 128 : i32
      %mul3A_444 = arith.muli %scan3A_439, %mul3A_443 : i32
      %add3A_445 = arith.constant 0 : i32
      %add3A_446 = arith.addi %mul3A_444, %add3A_445 : i32
      %mul3A_447 = arith.constant 128 : i32
      %mul3A_448 = arith.muli %scan3A_439, %mul3A_447 : i32
      %add3A_449 = arith.constant 16 : i32
      %add3A_450 = arith.addi %mul3A_448, %add3A_449 : i32
      %mul3A_451 = arith.constant 128 : i32
      %mul3A_452 = arith.muli %scan3A_439, %mul3A_451 : i32
      %add3A_453 = arith.constant 32 : i32
      %add3A_454 = arith.addi %mul3A_452, %add3A_453 : i32
      %mul3A_455 = arith.constant 128 : i32
      %mul3A_456 = arith.muli %scan3A_439, %mul3A_455 : i32
      %add3A_457 = arith.constant 48 : i32
      %add3A_458 = arith.addi %mul3A_456, %add3A_457 : i32
      %mul3A_459 = arith.constant 128 : i32
      %mul3A_460 = arith.muli %scan3A_439, %mul3A_459 : i32
      %add3A_461 = arith.constant 64 : i32
      %add3A_462 = arith.addi %mul3A_460, %add3A_461 : i32
      %mul3A_463 = arith.constant 128 : i32
      %mul3A_464 = arith.muli %scan3A_439, %mul3A_463 : i32
      %add3A_465 = arith.constant 80 : i32
      %add3A_466 = arith.addi %mul3A_464, %add3A_465 : i32
      %mul3A_467 = arith.constant 128 : i32
      %mul3A_468 = arith.muli %scan3A_439, %mul3A_467 : i32
      %add3A_469 = arith.constant 96 : i32
      %add3A_470 = arith.addi %mul3A_468, %add3A_469 : i32
      %mul3A_471 = arith.constant 128 : i32
      %mul3A_472 = arith.muli %scan3A_439, %mul3A_471 : i32
      %add3A_473 = arith.constant 112 : i32
      %add3A_474 = arith.addi %mul3A_472, %add3A_473 : i32
      %get3A_475 = arith.index_cast %add3A_446 : i32 to index
      %get3A_476 = tpu.vector_load %arg7[%get3A_475] {strides = array<i32>} : memref<8192xi32, #tpu.memory_space<vmem>>, vector<16xi32>,
      %get3A_477 = arith.index_cast %add3A_450 : i32 to index
      %get3A_478 = tpu.vector_load %arg7[%get3A_477] {strides = array<i32>} : memref<8192xi32, #tpu.memory_space<vmem>>, vector<16xi32>,
      %get3A_479 = arith.index_cast %add3A_454 : i32 to index
      %get3A_480 = tpu.vector_load %arg7[%get3A_479] {strides = array<i32>} : memref<8192xi32, #tpu.memory_space<vmem>>, vector<16xi32>,
      %get3A_481 = arith.index_cast %add3A_458 : i32 to index
      %get3A_482 = tpu.vector_load %arg7[%get3A_481] {strides = array<i32>} : memref<8192xi32, #tpu.memory_space<vmem>>, vector<16xi32>,
      %get3A_483 = arith.index_cast %add3A_462 : i32 to index
      %get3A_484 = tpu.vector_load %arg7[%get3A_483] {strides = array<i32>} : memref<8192xi32, #tpu.memory_space<vmem>>, vector<16xi32>,
      %get3A_485 = arith.index_cast %add3A_466 : i32 to index
      %get3A_486 = tpu.vector_load %arg7[%get3A_485] {strides = array<i32>} : memref<8192xi32, #tpu.memory_space<vmem>>, vector<16xi32>,
      %get3A_487 = arith.index_cast %add3A_470 : i32 to index
      %get3A_488 = tpu.vector_load %arg7[%get3A_487] {strides = array<i32>} : memref<8192xi32, #tpu.memory_space<vmem>>, vector<16xi32>,
      %get3A_489 = arith.index_cast %add3A_474 : i32 to index
      %get3A_490 = tpu.vector_load %arg7[%get3A_489] {strides = array<i32>} : memref<8192xi32, #tpu.memory_space<vmem>>, vector<16xi32>,
      %ge3A = arith.constant 51200 : i32
      %ge3A_491 = vector.broadcast %ge3A : i32 to vector<16xi32>
      %ge3A_492 = arith.cmpi sge, %get3A_476, %ge3A_491 : vector<16xi32>
      %ge3A_493 = arith.constant 51200 : i32
      %ge3A_494 = vector.broadcast %ge3A_493 : i32 to vector<16xi32>
      %ge3A_495 = arith.cmpi sge, %get3A_478, %ge3A_494 : vector<16xi32>
      %ge3A_496 = arith.constant 51200 : i32
      %ge3A_497 = vector.broadcast %ge3A_496 : i32 to vector<16xi32>
      %ge3A_498 = arith.cmpi sge, %get3A_480, %ge3A_497 : vector<16xi32>
      %ge3A_499 = arith.constant 51200 : i32
      %ge3A_500 = vector.broadcast %ge3A_499 : i32 to vector<16xi32>
      %ge3A_501 = arith.cmpi sge, %get3A_482, %ge3A_500 : vector<16xi32>
      %ge3A_502 = arith.constant 51200 : i32
      %ge3A_503 = vector.broadcast %ge3A_502 : i32 to vector<16xi32>
      %ge3A_504 = arith.cmpi sge, %get3A_484, %ge3A_503 : vector<16xi32>
      %ge3A_505 = arith.constant 51200 : i32
      %ge3A_506 = vector.broadcast %ge3A_505 : i32 to vector<16xi32>
      %ge3A_507 = arith.cmpi sge, %get3A_486, %ge3A_506 : vector<16xi32>
      %ge3A_508 = arith.constant 51200 : i32
      %ge3A_509 = vector.broadcast %ge3A_508 : i32 to vector<16xi32>
      %ge3A_510 = arith.cmpi sge, %get3A_488, %ge3A_509 : vector<16xi32>
      %ge3A_511 = arith.constant 51200 : i32
      %ge3A_512 = vector.broadcast %ge3A_511 : i32 to vector<16xi32>
      %ge3A_513 = arith.cmpi sge, %get3A_490, %ge3A_512 : vector<16xi32>
      %gather3A = tpu.vector_load_idx %arg8[%get3A_476] masked %ge3A_492 : memref<100000xf32, #tpu.memory_space<vmem>>[vector<16xi32>], vector<16xf32>, vector<16xi1>
      %gather3A_514 = tpu.vector_load_idx %arg8[%get3A_478] masked %ge3A_495 : memref<100000xf32, #tpu.memory_space<vmem>>[vector<16xi32>], vector<16xf32>, vector<16xi1>
      %gather3A_515 = tpu.vector_load_idx %arg8[%get3A_480] masked %ge3A_498 : memref<100000xf32, #tpu.memory_space<vmem>>[vector<16xi32>], vector<16xf32>, vector<16xi1>
      %gather3A_516 = tpu.vector_load_idx %arg8[%get3A_482] masked %ge3A_501 : memref<100000xf32, #tpu.memory_space<vmem>>[vector<16xi32>], vector<16xf32>, vector<16xi1>
      %gather3A_517 = tpu.vector_load_idx %arg8[%get3A_484] masked %ge3A_504 : memref<100000xf32, #tpu.memory_space<vmem>>[vector<16xi32>], vector<16xf32>, vector<16xi1>
      %gather3A_518 = tpu.vector_load_idx %arg8[%get3A_486] masked %ge3A_507 : memref<100000xf32, #tpu.memory_space<vmem>>[vector<16xi32>], vector<16xf32>, vector<16xi1>
      %gather3A_519 = tpu.vector_load_idx %arg8[%get3A_488] masked %ge3A_510 : memref<100000xf32, #tpu.memory_space<vmem>>[vector<16xi32>], vector<16xf32>, vector<16xi1>
      %gather3A_520 = tpu.vector_load_idx %arg8[%get3A_490] masked %ge3A_513 : memref<100000xf32, #tpu.memory_space<vmem>>[vector<16xi32>], vector<16xf32>, vector<16xi1>
      %add3A_521 = arith.constant 2048 : i32
      %add3A_522 = arith.addi %add3A_521, %rem3A_442 : i32
      %add3A_523 = arith.constant 0 : i32
      %add3A_524 = arith.addi %add3A_522, %add3A_523 : i32
      %get3A_525 = arith.index_cast %add3A_524 : i32 to index
      %get3A_526 = tpu.vector_load %arg10[%get3A_525] {strides = array<i32>} : memref<4096xf32, #tpu.memory_space<vmem>>, vector<16xf32>,
      %add3A_527 = arith.constant 2048 : i32
      %add3A_528 = arith.addi %add3A_527, %rem3A_442 : i32
      %add3A_529 = arith.constant 16 : i32
      %add3A_530 = arith.addi %add3A_528, %add3A_529 : i32
      %get3A_531 = arith.index_cast %add3A_530 : i32 to index
      %get3A_532 = tpu.vector_load %arg10[%get3A_531] {strides = array<i32>} : memref<4096xf32, #tpu.memory_space<vmem>>, vector<16xf32>,
      %add3A_533 = arith.constant 2048 : i32
      %add3A_534 = arith.addi %add3A_533, %rem3A_442 : i32
      %add3A_535 = arith.constant 32 : i32
      %add3A_536 = arith.addi %add3A_534, %add3A_535 : i32
      %get3A_537 = arith.index_cast %add3A_536 : i32 to index
      %get3A_538 = tpu.vector_load %arg10[%get3A_537] {strides = array<i32>} : memref<4096xf32, #tpu.memory_space<vmem>>, vector<16xf32>,
      %add3A_539 = arith.constant 2048 : i32
      %add3A_540 = arith.addi %add3A_539, %rem3A_442 : i32
      %add3A_541 = arith.constant 48 : i32
      %add3A_542 = arith.addi %add3A_540, %add3A_541 : i32
      %get3A_543 = arith.index_cast %add3A_542 : i32 to index
      %get3A_544 = tpu.vector_load %arg10[%get3A_543] {strides = array<i32>} : memref<4096xf32, #tpu.memory_space<vmem>>, vector<16xf32>,
      %add3A_545 = arith.constant 2048 : i32
      %add3A_546 = arith.addi %add3A_545, %rem3A_442 : i32
      %add3A_547 = arith.constant 64 : i32
      %add3A_548 = arith.addi %add3A_546, %add3A_547 : i32
      %get3A_549 = arith.index_cast %add3A_548 : i32 to index
      %get3A_550 = tpu.vector_load %arg10[%get3A_549] {strides = array<i32>} : memref<4096xf32, #tpu.memory_space<vmem>>, vector<16xf32>,
      %add3A_551 = arith.constant 2048 : i32
      %add3A_552 = arith.addi %add3A_551, %rem3A_442 : i32
      %add3A_553 = arith.constant 80 : i32
      %add3A_554 = arith.addi %add3A_552, %add3A_553 : i32
      %get3A_555 = arith.index_cast %add3A_554 : i32 to index
      %get3A_556 = tpu.vector_load %arg10[%get3A_555] {strides = array<i32>} : memref<4096xf32, #tpu.memory_space<vmem>>, vector<16xf32>,
      %add3A_557 = arith.constant 2048 : i32
      %add3A_558 = arith.addi %add3A_557, %rem3A_442 : i32
      %add3A_559 = arith.constant 96 : i32
      %add3A_560 = arith.addi %add3A_558, %add3A_559 : i32
      %get3A_561 = arith.index_cast %add3A_560 : i32 to index
      %get3A_562 = tpu.vector_load %arg10[%get3A_561] {strides = array<i32>} : memref<4096xf32, #tpu.memory_space<vmem>>, vector<16xf32>,
      %add3A_563 = arith.constant 2048 : i32
      %add3A_564 = arith.addi %add3A_563, %rem3A_442 : i32
      %add3A_565 = arith.constant 112 : i32
      %add3A_566 = arith.addi %add3A_564, %add3A_565 : i32
      %get3A_567 = arith.index_cast %add3A_566 : i32 to index
      %get3A_568 = tpu.vector_load %arg10[%get3A_567] {strides = array<i32>} : memref<4096xf32, #tpu.memory_space<vmem>>, vector<16xf32>,
      %add3A_569 = arith.constant 8192 : i32
      %add3A_570 = arith.addi %add3A_569, %add3A_446 : i32
      %add3A_571 = vector.broadcast %add3A_570 : i32 to vector<16xi32>
      %add3A_572 = arith.addi %iota3A, %add3A_571 : vector<16xi32>
      %add3A_573 = arith.addf %gather3A, %get3A_526 : vector<16xf32>
      tpu.vector_store_idx %arg11[%add3A_572], %add3A_573 masked %ge3A_492 : memref<16384xf32, #tpu.memory_space<vmem>>[vector<16xi32>], vector<16xf32>, vector<16xi1>
      %add3A_574 = arith.constant 8192 : i32
      %add3A_575 = arith.addi %add3A_574, %add3A_450 : i32
      %add3A_576 = vector.broadcast %add3A_575 : i32 to vector<16xi32>
      %add3A_577 = arith.addi %iota3A, %add3A_576 : vector<16xi32>
      %add3A_578 = arith.addf %gather3A_514, %get3A_532 : vector<16xf32>
      tpu.vector_store_idx %arg11[%add3A_577], %add3A_578 masked %ge3A_495 : memref<16384xf32, #tpu.memory_space<vmem>>[vector<16xi32>], vector<16xf32>, vector<16xi1>
      %add3A_579 = arith.constant 8192 : i32
      %add3A_580 = arith.addi %add3A_579, %add3A_454 : i32
      %add3A_581 = vector.broadcast %add3A_580 : i32 to vector<16xi32>
      %add3A_582 = arith.addi %iota3A, %add3A_581 : vector<16xi32>
      %add3A_583 = arith.addf %gather3A_515, %get3A_538 : vector<16xf32>
      tpu.vector_store_idx %arg11[%add3A_582], %add3A_583 masked %ge3A_498 : memref<16384xf32, #tpu.memory_space<vmem>>[vector<16xi32>], vector<16xf32>, vector<16xi1>
      %add3A_584 = arith.constant 8192 : i32
      %add3A_585 = arith.addi %add3A_584, %add3A_458 : i32
      %add3A_586 = vector.broadcast %add3A_585 : i32 to vector<16xi32>
      %add3A_587 = arith.addi %iota3A, %add3A_586 : vector<16xi32>
      %add3A_588 = arith.addf %gather3A_516, %get3A_544 : vector<16xf32>
      tpu.vector_store_idx %arg11[%add3A_587], %add3A_588 masked %ge3A_501 : memref<16384xf32, #tpu.memory_space<vmem>>[vector<16xi32>], vector<16xf32>, vector<16xi1>
      %add3A_589 = arith.constant 8192 : i32
      %add3A_590 = arith.addi %add3A_589, %add3A_462 : i32
      %add3A_591 = vector.broadcast %add3A_590 : i32 to vector<16xi32>
      %add3A_592 = arith.addi %iota3A, %add3A_591 : vector<16xi32>
      %add3A_593 = arith.addf %gather3A_517, %get3A_550 : vector<16xf32>
      tpu.vector_store_idx %arg11[%add3A_592], %add3A_593 masked %ge3A_504 : memref<16384xf32, #tpu.memory_space<vmem>>[vector<16xi32>], vector<16xf32>, vector<16xi1>
      %add3A_594 = arith.constant 8192 : i32
      %add3A_595 = arith.addi %add3A_594, %add3A_466 : i32
      %add3A_596 = vector.broadcast %add3A_595 : i32 to vector<16xi32>
      %add3A_597 = arith.addi %iota3A, %add3A_596 : vector<16xi32>
      %add3A_598 = arith.addf %gather3A_518, %get3A_556 : vector<16xf32>
      tpu.vector_store_idx %arg11[%add3A_597], %add3A_598 masked %ge3A_507 : memref<16384xf32, #tpu.memory_space<vmem>>[vector<16xi32>], vector<16xf32>, vector<16xi1>
      %add3A_599 = arith.constant 8192 : i32
      %add3A_600 = arith.addi %add3A_599, %add3A_470 : i32
      %add3A_601 = vector.broadcast %add3A_600 : i32 to vector<16xi32>
      %add3A_602 = arith.addi %iota3A, %add3A_601 : vector<16xi32>
      %add3A_603 = arith.addf %gather3A_519, %get3A_562 : vector<16xf32>
      tpu.vector_store_idx %arg11[%add3A_602], %add3A_603 masked %ge3A_510 : memref<16384xf32, #tpu.memory_space<vmem>>[vector<16xi32>], vector<16xf32>, vector<16xi1>
      %add3A_604 = arith.constant 8192 : i32
      %add3A_605 = arith.addi %add3A_604, %add3A_474 : i32
      %add3A_606 = vector.broadcast %add3A_605 : i32 to vector<16xi32>
      %add3A_607 = arith.addi %iota3A, %add3A_606 : vector<16xi32>
      %add3A_608 = arith.addf %gather3A_520, %get3A_568 : vector<16xf32>
      tpu.vector_store_idx %arg11[%add3A_607], %add3A_608 masked %ge3A_513 : memref<16384xf32, #tpu.memory_space<vmem>>[vector<16xi32>], vector<16xf32>, vector<16xi1>
    }
    %scan3A_302 = arith.constant 64 : i32
    %mul3A_303 = arith.constant 2 : i32
    %mul3A_304 = arith.muli %add3A, %mul3A_303 : i32
    %add3A_305 = arith.constant 1 : i32
    %add3A_306 = arith.addi %mul3A_304, %add3A_305 : i32
    %dma_start3A_307 = arith.constant 0 : i32
    %dma_start3A_308 = arith.constant 8192 : i32
    %dma_start3A_309 = tpu.memref_slice %arg11[%dma_start3A_308] : memref<16384xf32, #tpu.memory_space<vmem>> -> memref<2048xf32, #tpu.memory_space<vmem>>
    %dma_start3A_310 = arith.constant 0 : i32
    %dma_start3A_311 = tpu.memref_slice %arg6[%dma_start3A_307, %add3A_306, %dma_start3A_310] : memref<4x64x2048xf32, #tpu.memory_space<hbm>> -> memref<1x1x2048xf32, #tpu.memory_space<hbm>>
    %dma_start3A_312 = tpu.memref_squeeze %dma_start3A_311 : memref<1x1x2048xf32, #tpu.memory_space<hbm>> -> memref<2048xf32, #tpu.memory_space<hbm>>
    %dma_start3A_313 = arith.constant 0 : i32
    %dma_start3A_314 = tpu.memref_slice %arg6[%dma_start3A_307, %add3A_306, %dma_start3A_313] : memref<4x64x2048xf32, #tpu.memory_space<hbm>> -> memref<1x1x2048xf32, #tpu.memory_space<hbm>>
    %dma_start3A_315 = tpu.memref_squeeze %dma_start3A_314 : memref<1x1x2048xf32, #tpu.memory_space<hbm>> -> memref<2048xf32, #tpu.memory_space<hbm>>
    %dma_start3A_316 = arith.constant 8192 : i32
    %dma_start3A_317 = tpu.memref_slice %arg11[%dma_start3A_316] : memref<16384xf32, #tpu.memory_space<vmem>> -> memref<2048xf32, #tpu.memory_space<vmem>>
    tpu.enqueue_dma source(%dma_start3A_317 : memref<2048xf32, #tpu.memory_space<vmem>>) target(%dma_start3A_315 : memref<2048xf32, #tpu.memory_space<hbm>>) target_semaphore(%arg13 : memref<!tpu.dma_semaphore, #tpu.memory_space<semaphore_mem>>)
    %dma_start3A_318 = arith.constant 1 : i32
    %dma_start3A_319 = arith.constant 10240 : i32
    %dma_start3A_320 = tpu.memref_slice %arg11[%dma_start3A_319] : memref<16384xf32, #tpu.memory_space<vmem>> -> memref<2048xf32, #tpu.memory_space<vmem>>
    %dma_start3A_321 = arith.constant 0 : i32
    %dma_start3A_322 = tpu.memref_slice %arg6[%dma_start3A_318, %add3A_306, %dma_start3A_321] : memref<4x64x2048xf32, #tpu.memory_space<hbm>> -> memref<1x1x2048xf32, #tpu.memory_space<hbm>>
    %dma_start3A_323 = tpu.memref_squeeze %dma_start3A_322 : memref<1x1x2048xf32, #tpu.memory_space<hbm>> -> memref<2048xf32, #tpu.memory_space<hbm>>
    %dma_start3A_324 = arith.constant 0 : i32
    %dma_start3A_325 = tpu.memref_slice %arg6[%dma_start3A_318, %add3A_306, %dma_start3A_324] : memref<4x64x2048xf32, #tpu.memory_space<hbm>> -> memref<1x1x2048xf32, #tpu.memory_space<hbm>>
    %dma_start3A_326 = tpu.memref_squeeze %dma_start3A_325 : memref<1x1x2048xf32, #tpu.memory_space<hbm>> -> memref<2048xf32, #tpu.memory_space<hbm>>
    %dma_start3A_327 = arith.constant 10240 : i32
    %dma_start3A_328 = tpu.memref_slice %arg11[%dma_start3A_327] : memref<16384xf32, #tpu.memory_space<vmem>> -> memref<2048xf32, #tpu.memory_space<vmem>>
    tpu.enqueue_dma source(%dma_start3A_328 : memref<2048xf32, #tpu.memory_space<vmem>>) target(%dma_start3A_326 : memref<2048xf32, #tpu.memory_space<hbm>>) target_semaphore(%arg13 : memref<!tpu.dma_semaphore, #tpu.memory_space<semaphore_mem>>)
    %dma_start3A_329 = arith.constant 2 : i32
    %dma_start3A_330 = arith.constant 12288 : i32
    %dma_start3A_331 = tpu.memref_slice %arg11[%dma_start3A_330] : memref<16384xf32, #tpu.memory_space<vmem>> -> memref<2048xf32, #tpu.memory_space<vmem>>
    %dma_start3A_332 = arith.constant 0 : i32
    %dma_start3A_333 = tpu.memref_slice %arg6[%dma_start3A_329, %add3A_306, %dma_start3A_332] : memref<4x64x2048xf32, #tpu.memory_space<hbm>> -> memref<1x1x2048xf32, #tpu.memory_space<hbm>>
    %dma_start3A_334 = tpu.memref_squeeze %dma_start3A_333 : memref<1x1x2048xf32, #tpu.memory_space<hbm>> -> memref<2048xf32, #tpu.memory_space<hbm>>
    %dma_start3A_335 = arith.constant 0 : i32
    %dma_start3A_336 = tpu.memref_slice %arg6[%dma_start3A_329, %add3A_306, %dma_start3A_335] : memref<4x64x2048xf32, #tpu.memory_space<hbm>> -> memref<1x1x2048xf32, #tpu.memory_space<hbm>>
    %dma_start3A_337 = tpu.memref_squeeze %dma_start3A_336 : memref<1x1x2048xf32, #tpu.memory_space<hbm>> -> memref<2048xf32, #tpu.memory_space<hbm>>
    %dma_start3A_338 = arith.constant 12288 : i32
    %dma_start3A_339 = tpu.memref_slice %arg11[%dma_start3A_338] : memref<16384xf32, #tpu.memory_space<vmem>> -> memref<2048xf32, #tpu.memory_space<vmem>>
    tpu.enqueue_dma source(%dma_start3A_339 : memref<2048xf32, #tpu.memory_space<vmem>>) target(%dma_start3A_337 : memref<2048xf32, #tpu.memory_space<hbm>>) target_semaphore(%arg13 : memref<!tpu.dma_semaphore, #tpu.memory_space<semaphore_mem>>)
    %dma_start3A_340 = arith.constant 3 : i32
    %dma_start3A_341 = arith.constant 14336 : i32
    %dma_start3A_342 = tpu.memref_slice %arg11[%dma_start3A_341] : memref<16384xf32, #tpu.memory_space<vmem>> -> memref<2048xf32, #tpu.memory_space<vmem>>
    %dma_start3A_343 = arith.constant 0 : i32
    %dma_start3A_344 = tpu.memref_slice %arg6[%dma_start3A_340, %add3A_306, %dma_start3A_343] : memref<4x64x2048xf32, #tpu.memory_space<hbm>> -> memref<1x1x2048xf32, #tpu.memory_space<hbm>>
    %dma_start3A_345 = tpu.memref_squeeze %dma_start3A_344 : memref<1x1x2048xf32, #tpu.memory_space<hbm>> -> memref<2048xf32, #tpu.memory_space<hbm>>
    %dma_start3A_346 = arith.constant 0 : i32
    %dma_start3A_347 = tpu.memref_slice %arg6[%dma_start3A_340, %add3A_306, %dma_start3A_346] : memref<4x64x2048xf32, #tpu.memory_space<hbm>> -> memref<1x1x2048xf32, #tpu.memory_space<hbm>>
    %dma_start3A_348 = tpu.memref_squeeze %dma_start3A_347 : memref<1x1x2048xf32, #tpu.memory_space<hbm>> -> memref<2048xf32, #tpu.memory_space<hbm>>
    %dma_start3A_349 = arith.constant 14336 : i32
    %dma_start3A_350 = tpu.memref_slice %arg11[%dma_start3A_349] : memref<16384xf32, #tpu.memory_space<vmem>> -> memref<2048xf32, #tpu.memory_space<vmem>>
    tpu.enqueue_dma source(%dma_start3A_350 : memref<2048xf32, #tpu.memory_space<vmem>>) target(%dma_start3A_348 : memref<2048xf32, #tpu.memory_space<hbm>>) target_semaphore(%arg13 : memref<!tpu.dma_semaphore, #tpu.memory_space<semaphore_mem>>)
    %dma_wait3A_351 = arith.constant 0 : i32
    %dma_wait3A_352 = arith.constant 0 : i32
    %dma_wait3A_353 = tpu.memref_slice %arg11[%dma_wait3A_352] : memref<16384xf32, #tpu.memory_space<vmem>> -> memref<2048xf32, #tpu.memory_space<vmem>>
    %dma_wait3A_354 = arith.constant 0 : i32
    %dma_wait3A_355 = tpu.memref_slice %arg6[%dma_wait3A_351, %add3A_152, %dma_wait3A_354] : memref<4x64x2048xf32, #tpu.memory_space<hbm>> -> memref<1x1x2048xf32, #tpu.memory_space<hbm>>
    %dma_wait3A_356 = tpu.memref_squeeze %dma_wait3A_355 : memref<1x1x2048xf32, #tpu.memory_space<hbm>> -> memref<2048xf32, #tpu.memory_space<hbm>>
    %dma_wait3A_357 = arith.constant 0 : i32
    %dma_wait3A_358 = tpu.memref_slice %arg6[%dma_wait3A_351, %add3A_152, %dma_wait3A_357] : memref<4x64x2048xf32, #tpu.memory_space<hbm>> -> memref<1x1x2048xf32, #tpu.memory_space<hbm>>
    %dma_wait3A_359 = tpu.memref_squeeze %dma_wait3A_358 : memref<1x1x2048xf32, #tpu.memory_space<hbm>> -> memref<2048xf32, #tpu.memory_space<hbm>>
    %dma_wait3A_360 = arith.constant 0 : i32
    %dma_wait3A_361 = tpu.memref_slice %arg11[%dma_wait3A_360] : memref<16384xf32, #tpu.memory_space<vmem>> -> memref<2048xf32, #tpu.memory_space<vmem>>
    tpu.wait_dma2 semaphore(%arg13 : memref<!tpu.dma_semaphore, #tpu.memory_space<semaphore_mem>>) src(%dma_wait3A_361 : memref<2048xf32, #tpu.memory_space<vmem>>) dst(%dma_wait3A_359 : memref<2048xf32, #tpu.memory_space<hbm>>)
    %dma_wait3A_362 = arith.constant 1 : i32
    %dma_wait3A_363 = arith.constant 2048 : i32
    %dma_wait3A_364 = tpu.memref_slice %arg11[%dma_wait3A_363] : memref<16384xf32, #tpu.memory_space<vmem>> -> memref<2048xf32, #tpu.memory_space<vmem>>
    %dma_wait3A_365 = arith.constant 0 : i32
    %dma_wait3A_366 = tpu.memref_slice %arg6[%dma_wait3A_362, %add3A_152, %dma_wait3A_365] : memref<4x64x2048xf32, #tpu.memory_space<hbm>> -> memref<1x1x2048xf32, #tpu.memory_space<hbm>>
    %dma_wait3A_367 = tpu.memref_squeeze %dma_wait3A_366 : memref<1x1x2048xf32, #tpu.memory_space<hbm>> -> memref<2048xf32, #tpu.memory_space<hbm>>
    %dma_wait3A_368 = arith.constant 0 : i32
    %dma_wait3A_369 = tpu.memref_slice %arg6[%dma_wait3A_362, %add3A_152, %dma_wait3A_368] : memref<4x64x2048xf32, #tpu.memory_space<hbm>> -> memref<1x1x2048xf32, #tpu.memory_space<hbm>>
    %dma_wait3A_370 = tpu.memref_squeeze %dma_wait3A_369 : memref<1x1x2048xf32, #tpu.memory_space<hbm>> -> memref<2048xf32, #tpu.memory_space<hbm>>
    %dma_wait3A_371 = arith.constant 2048 : i32
    %dma_wait3A_372 = tpu.memref_slice %arg11[%dma_wait3A_371] : memref<16384xf32, #tpu.memory_space<vmem>> -> memref<2048xf32, #tpu.memory_space<vmem>>
    tpu.wait_dma2 semaphore(%arg13 : memref<!tpu.dma_semaphore, #tpu.memory_space<semaphore_mem>>) src(%dma_wait3A_372 : memref<2048xf32, #tpu.memory_space<vmem>>) dst(%dma_wait3A_370 : memref<2048xf32, #tpu.memory_space<hbm>>)
    %dma_wait3A_373 = arith.constant 2 : i32
    %dma_wait3A_374 = arith.constant 4096 : i32
    %dma_wait3A_375 = tpu.memref_slice %arg11[%dma_wait3A_374] : memref<16384xf32, #tpu.memory_space<vmem>> -> memref<2048xf32, #tpu.memory_space<vmem>>
    %dma_wait3A_376 = arith.constant 0 : i32
    %dma_wait3A_377 = tpu.memref_slice %arg6[%dma_wait3A_373, %add3A_152, %dma_wait3A_376] : memref<4x64x2048xf32, #tpu.memory_space<hbm>> -> memref<1x1x2048xf32, #tpu.memory_space<hbm>>
    %dma_wait3A_378 = tpu.memref_squeeze %dma_wait3A_377 : memref<1x1x2048xf32, #tpu.memory_space<hbm>> -> memref<2048xf32, #tpu.memory_space<hbm>>
    %dma_wait3A_379 = arith.constant 0 : i32
    %dma_wait3A_380 = tpu.memref_slice %arg6[%dma_wait3A_373, %add3A_152, %dma_wait3A_379] : memref<4x64x2048xf32, #tpu.memory_space<hbm>> -> memref<1x1x2048xf32, #tpu.memory_space<hbm>>
    %dma_wait3A_381 = tpu.memref_squeeze %dma_wait3A_380 : memref<1x1x2048xf32, #tpu.memory_space<hbm>> -> memref<2048xf32, #tpu.memory_space<hbm>>
    %dma_wait3A_382 = arith.constant 4096 : i32
    %dma_wait3A_383 = tpu.memref_slice %arg11[%dma_wait3A_382] : memref<16384xf32, #tpu.memory_space<vmem>> -> memref<2048xf32, #tpu.memory_space<vmem>>
    tpu.wait_dma2 semaphore(%arg13 : memref<!tpu.dma_semaphore, #tpu.memory_space<semaphore_mem>>) src(%dma_wait3A_383 : memref<2048xf32, #tpu.memory_space<vmem>>) dst(%dma_wait3A_381 : memref<2048xf32, #tpu.memory_space<hbm>>)
    %dma_wait3A_384 = arith.constant 3 : i32
    %dma_wait3A_385 = arith.constant 6144 : i32
    %dma_wait3A_386 = tpu.memref_slice %arg11[%dma_wait3A_385] : memref<16384xf32, #tpu.memory_space<vmem>> -> memref<2048xf32, #tpu.memory_space<vmem>>
    %dma_wait3A_387 = arith.constant 0 : i32
    %dma_wait3A_388 = tpu.memref_slice %arg6[%dma_wait3A_384, %add3A_152, %dma_wait3A_387] : memref<4x64x2048xf32, #tpu.memory_space<hbm>> -> memref<1x1x2048xf32, #tpu.memory_space<hbm>>
    %dma_wait3A_389 = tpu.memref_squeeze %dma_wait3A_388 : memref<1x1x2048xf32, #tpu.memory_space<hbm>> -> memref<2048xf32, #tpu.memory_space<hbm>>
    %dma_wait3A_390 = arith.constant 0 : i32
    %dma_wait3A_391 = tpu.memref_slice %arg6[%dma_wait3A_384, %add3A_152, %dma_wait3A_390] : memref<4x64x2048xf32, #tpu.memory_space<hbm>> -> memref<1x1x2048xf32, #tpu.memory_space<hbm>>
    %dma_wait3A_392 = tpu.memref_squeeze %dma_wait3A_391 : memref<1x1x2048xf32, #tpu.memory_space<hbm>> -> memref<2048xf32, #tpu.memory_space<hbm>>
    %dma_wait3A_393 = arith.constant 6144 : i32
    %dma_wait3A_394 = tpu.memref_slice %arg11[%dma_wait3A_393] : memref<16384xf32, #tpu.memory_space<vmem>> -> memref<2048xf32, #tpu.memory_space<vmem>>
    tpu.wait_dma2 semaphore(%arg13 : memref<!tpu.dma_semaphore, #tpu.memory_space<semaphore_mem>>) src(%dma_wait3A_394 : memref<2048xf32, #tpu.memory_space<vmem>>) dst(%dma_wait3A_392 : memref<2048xf32, #tpu.memory_space<hbm>>)
    %dma_wait3A_395 = arith.constant 0 : i32
    %dma_wait3A_396 = arith.constant 8192 : i32
    %dma_wait3A_397 = tpu.memref_slice %arg11[%dma_wait3A_396] : memref<16384xf32, #tpu.memory_space<vmem>> -> memref<2048xf32, #tpu.memory_space<vmem>>
    %dma_wait3A_398 = arith.constant 0 : i32
    %dma_wait3A_399 = tpu.memref_slice %arg6[%dma_wait3A_395, %add3A_306, %dma_wait3A_398] : memref<4x64x2048xf32, #tpu.memory_space<hbm>> -> memref<1x1x2048xf32, #tpu.memory_space<hbm>>
    %dma_wait3A_400 = tpu.memref_squeeze %dma_wait3A_399 : memref<1x1x2048xf32, #tpu.memory_space<hbm>> -> memref<2048xf32, #tpu.memory_space<hbm>>
    %dma_wait3A_401 = arith.constant 0 : i32
    %dma_wait3A_402 = tpu.memref_slice %arg6[%dma_wait3A_395, %add3A_306, %dma_wait3A_401] : memref<4x64x2048xf32, #tpu.memory_space<hbm>> -> memref<1x1x2048xf32, #tpu.memory_space<hbm>>
    %dma_wait3A_403 = tpu.memref_squeeze %dma_wait3A_402 : memref<1x1x2048xf32, #tpu.memory_space<hbm>> -> memref<2048xf32, #tpu.memory_space<hbm>>
    %dma_wait3A_404 = arith.constant 8192 : i32
    %dma_wait3A_405 = tpu.memref_slice %arg11[%dma_wait3A_404] : memref<16384xf32, #tpu.memory_space<vmem>> -> memref<2048xf32, #tpu.memory_space<vmem>>
    tpu.wait_dma2 semaphore(%arg13 : memref<!tpu.dma_semaphore, #tpu.memory_space<semaphore_mem>>) src(%dma_wait3A_405 : memref<2048xf32, #tpu.memory_space<vmem>>) dst(%dma_wait3A_403 : memref<2048xf32, #tpu.memory_space<hbm>>)
    %dma_wait3A_406 = arith.constant 1 : i32
    %dma_wait3A_407 = arith.constant 10240 : i32
    %dma_wait3A_408 = tpu.memref_slice %arg11[%dma_wait3A_407] : memref<16384xf32, #tpu.memory_space<vmem>> -> memref<2048xf32, #tpu.memory_space<vmem>>
    %dma_wait3A_409 = arith.constant 0 : i32
    %dma_wait3A_410 = tpu.memref_slice %arg6[%dma_wait3A_406, %add3A_306, %dma_wait3A_409] : memref<4x64x2048xf32, #tpu.memory_space<hbm>> -> memref<1x1x2048xf32, #tpu.memory_space<hbm>>
    %dma_wait3A_411 = tpu.memref_squeeze %dma_wait3A_410 : memref<1x1x2048xf32, #tpu.memory_space<hbm>> -> memref<2048xf32, #tpu.memory_space<hbm>>
    %dma_wait3A_412 = arith.constant 0 : i32
    %dma_wait3A_413 = tpu.memref_slice %arg6[%dma_wait3A_406, %add3A_306, %dma_wait3A_412] : memref<4x64x2048xf32, #tpu.memory_space<hbm>> -> memref<1x1x2048xf32, #tpu.memory_space<hbm>>
    %dma_wait3A_414 = tpu.memref_squeeze %dma_wait3A_413 : memref<1x1x2048xf32, #tpu.memory_space<hbm>> -> memref<2048xf32, #tpu.memory_space<hbm>>
    %dma_wait3A_415 = arith.constant 10240 : i32
    %dma_wait3A_416 = tpu.memref_slice %arg11[%dma_wait3A_415] : memref<16384xf32, #tpu.memory_space<vmem>> -> memref<2048xf32, #tpu.memory_space<vmem>>
    tpu.wait_dma2 semaphore(%arg13 : memref<!tpu.dma_semaphore, #tpu.memory_space<semaphore_mem>>) src(%dma_wait3A_416 : memref<2048xf32, #tpu.memory_space<vmem>>) dst(%dma_wait3A_414 : memref<2048xf32, #tpu.memory_space<hbm>>)
    %dma_wait3A_417 = arith.constant 2 : i32
    %dma_wait3A_418 = arith.constant 12288 : i32
    %dma_wait3A_419 = tpu.memref_slice %arg11[%dma_wait3A_418] : memref<16384xf32, #tpu.memory_space<vmem>> -> memref<2048xf32, #tpu.memory_space<vmem>>
    %dma_wait3A_420 = arith.constant 0 : i32
    %dma_wait3A_421 = tpu.memref_slice %arg6[%dma_wait3A_417, %add3A_306, %dma_wait3A_420] : memref<4x64x2048xf32, #tpu.memory_space<hbm>> -> memref<1x1x2048xf32, #tpu.memory_space<hbm>>
    %dma_wait3A_422 = tpu.memref_squeeze %dma_wait3A_421 : memref<1x1x2048xf32, #tpu.memory_space<hbm>> -> memref<2048xf32, #tpu.memory_space<hbm>>
    %dma_wait3A_423 = arith.constant 0 : i32
    %dma_wait3A_424 = tpu.memref_slice %arg6[%dma_wait3A_417, %add3A_306, %dma_wait3A_423] : memref<4x64x2048xf32, #tpu.memory_space<hbm>> -> memref<1x1x2048xf32, #tpu.memory_space<hbm>>
    %dma_wait3A_425 = tpu.memref_squeeze %dma_wait3A_424 : memref<1x1x2048xf32, #tpu.memory_space<hbm>> -> memref<2048xf32, #tpu.memory_space<hbm>>
    %dma_wait3A_426 = arith.constant 12288 : i32
    %dma_wait3A_427 = tpu.memref_slice %arg11[%dma_wait3A_426] : memref<16384xf32, #tpu.memory_space<vmem>> -> memref<2048xf32, #tpu.memory_space<vmem>>
    tpu.wait_dma2 semaphore(%arg13 : memref<!tpu.dma_semaphore, #tpu.memory_space<semaphore_mem>>) src(%dma_wait3A_427 : memref<2048xf32, #tpu.memory_space<vmem>>) dst(%dma_wait3A_425 : memref<2048xf32, #tpu.memory_space<hbm>>)
    %dma_wait3A_428 = arith.constant 3 : i32
    %dma_wait3A_429 = arith.constant 14336 : i32
    %dma_wait3A_430 = tpu.memref_slice %arg11[%dma_wait3A_429] : memref<16384xf32, #tpu.memory_space<vmem>> -> memref<2048xf32, #tpu.memory_space<vmem>>
    %dma_wait3A_431 = arith.constant 0 : i32
    %dma_wait3A_432 = tpu.memref_slice %arg6[%dma_wait3A_428, %add3A_306, %dma_wait3A_431] : memref<4x64x2048xf32, #tpu.memory_space<hbm>> -> memref<1x1x2048xf32, #tpu.memory_space<hbm>>
    %dma_wait3A_433 = tpu.memref_squeeze %dma_wait3A_432 : memref<1x1x2048xf32, #tpu.memory_space<hbm>> -> memref<2048xf32, #tpu.memory_space<hbm>>
    %dma_wait3A_434 = arith.constant 0 : i32
    %dma_wait3A_435 = tpu.memref_slice %arg6[%dma_wait3A_428, %add3A_306, %dma_wait3A_434] : memref<4x64x2048xf32, #tpu.memory_space<hbm>> -> memref<1x1x2048xf32, #tpu.memory_space<hbm>>
    %dma_wait3A_436 = tpu.memref_squeeze %dma_wait3A_435 : memref<1x1x2048xf32, #tpu.memory_space<hbm>> -> memref<2048xf32, #tpu.memory_space<hbm>>
    %dma_wait3A_437 = arith.constant 14336 : i32
    %dma_wait3A_438 = tpu.memref_slice %arg11[%dma_wait3A_437] : memref<16384xf32, #tpu.memory_space<vmem>> -> memref<2048xf32, #tpu.memory_space<vmem>>
    tpu.wait_dma2 semaphore(%arg13 : memref<!tpu.dma_semaphore, #tpu.memory_space<semaphore_mem>>) src(%dma_wait3A_438 : memref<2048xf32, #tpu.memory_space<vmem>>) dst(%dma_wait3A_436 : memref<2048xf32, #tpu.memory_space<hbm>>)
    return
  }
}

</mosaic_0001>

<sc_bundles>
// kernel: kernel.3.cloned.1.call-start
scs
__scs_entry_jumppad:
0x0: {  	(pc) =	sbr.rel $0x88, $3  }
0x1: {  	(tag) =	ssettag $0x0;
	lr =	simm.s32 $0x1  }
0x2: {  	[smem:$0x3F9E] =	sst lr;
	_ =	strace $0xD0000000  }
0x3: {  	_ = 	snop  }
0x4: {  	_ = 	snop  }
0x5: {  	_ = 	snop  }
0x6: {  	_ = 	snop  }
0x7: {  	_ = 	snop  }
__scs_overlays_trampoline_lowered:
0x8: {  	[smem:$0x3FAD] =	sst s0  }
0x9: {  	[smem:$0x3FAE] =	sst s1  }
0xa: {  	[smem:$0x3FAF] =	sst s2  }
0xb: {  	[smem:$0x3FB0] =	sst s3  }
0xc: {  	[smem:$0x3FB1] =	sst s4  }
0xd: {  	[smem:$0x3FB2] =	sst s5  }
0xe: {  	[smem:$0x3FB3] =	sst s6  }
0xf: {  	[smem:$0x3FB4] =	sst s7  }
0x10: {  	[smem:$0x3FB5] =	sst s8  }
0x11: {  	[smem:$0x3FB6] =	sst s9;
	s0 =	simm.s32 @!p0 $0x0  }
0x12: {  	s1 =	sld [smem:$0x3F9C];
	s0 =	simm.s32 @p0 $0x1  }
0x13: {  	[smem:$0x3FB7] =	sst s0;
	s0 =	simm.s32 @!p1 $0x0  }
0x14: {  	s2 =	sld [smem:$0x3F9B];
	s0 =	simm.s32 @p1 $0x1  }
0x15: {  	[smem:$0x3FB8] =	sst s0;
	s0 =	simm.s32 @!p2 $0x0  }
0x16: {  	s3 =	sld [smem:$0x3FDB];
	s0 =	simm.s32 @p2 $0x1  }
0x17: {  	s4 =	simm.s32 $0x1BF5;
	[smem:$0x3FBA] =	sst s0  }
0x18: {  	s0 =	sld [smem:$0x3F9D];
	_ =	swait.ge [sflag:s4], $0x0  }
0x19: {  	s7 =	sld [smem:$0x3F9E]  }
0x1a: {  	s8 =	sadd.s32 $0xFFFFE003, lr  }
0x1b: {  	s9 =	sadd.s32 $0xFFFFFEF7, lr;
	s5 =	simm.s32 $0xFFFFFFFF;
	p2 =	slt.u32 s8, $0xFFFFF086  }
0x1c: {  	p1 =	slt.u32 s9, $0xF7A;
	s5 =	simm.s32 @!p2 $0x0  }
0x1d: {  	s5 =	simm.s32 @p1 $0x1;
	p0 =	seq.s32 s7, s2  }
0x1e: {  	s7 =	smul.u32 @!p0 $0xF7A, s2;
	p2 =	seq.s32 @!p0 s5, $0x0  }
0x1f: {  	s9 =	smul.u32 $0xF7A, s1;
	s8 =	simm.s32 @!p0 $0x1BF5;
	p2 =	por !p2, p0  }
0x20: {  	[sflag:s8] =	ssyncset.s32 @!p0 $0xFFFFF086;
	s6 =	sadd.s32 @!p0 s3, s7;
	s7 =	simm.s32 @!p0 $0x108  }
0x21: {  	s3 =	sadd.s32 s3, s9;
	s6 =	sadd.s32 @!p0 $0x88, s6;
	s7 =	simm.s32 @p2 $0x1082  }
0x22: {  	[simem:s7], [sflag:s8] =	dma.local @!p0 [hbm:s6], $0xF7A  }
0x23: {  	s9 =	sor.u32 $0xD0000000, s2;
	s6 =	simm.s32 $0x108;
	_ =	swait.ge @!p0 [sflag:s8], $0x0  }
0x24: {  	s3 =	sadd.s32 $0x88, s3;
	s6 =	simm.s32 @!p1 $0x1082;
	[sflag:s4] =	ssyncset.s32 $0xFFFFF086  }
0x25: {  	[simem:s6], [sflag:s4] =	dma.local [hbm:s3], $0xF7A  }
0x26: {  	[smem:$0x3F9E] =	sst s1;
	(tag) =	ssettag s2;
	_ =	strace s9  }
0x27: {  	s1 =	sld [smem:$0x3FAE]  }
0x28: {  	s2 =	sld [smem:$0x3FAF]  }
0x29: {  	s4 =	sld [smem:$0x3FB1]  }
0x2a: {  	p0 =	seq.s32 s5, $0x0;
	s5 =	sld [smem:$0x3FB2]  }
0x2b: {  	s6 =	sld [smem:$0x3FB3]  }
0x2c: {  	s7 =	sld [smem:$0x3FB4]  }
0x2d: {  	s3 =	simm.s32 $0x108;
	s8 =	sld [smem:$0x3FB5]  }
0x2e: {  	s3 =	simm.s32 @!p0 $0x1082;
	s9 =	sld [smem:$0x3FB6]  }
0x2f: {  	lr =	sadd.s32 s0, s3;
	s0 =	sld [smem:$0x3FAD]  }
0x30: {  	s3 =	sld [smem:$0x3FB0]  }
0x31: {  	[smem:$0x3FB9] =	sst s10  }
0x32: {  	s10 =	sld [smem:$0x3FB7];
	_ =	sdelay $0x3  }
0x33: {  	p0 =	seq.s32 s10, $0x1;
	s10 =	sld [smem:$0x3FB9];
	_ =	sdelay $0x3  }
0x34: {  	[smem:$0x3FB9] =	sst s10  }
0x35: {  	s10 =	sld [smem:$0x3FB8];
	_ =	sdelay $0x3  }
0x36: {  	p1 =	seq.s32 s10, $0x1;
	s10 =	sld [smem:$0x3FB9];
	_ =	sdelay $0x3  }
0x37: {  	[smem:$0x3FB9] =	sst s10  }
0x38: {  	s10 =	sld [smem:$0x3FBA]  }
0x39: {  	_ = 	snop;
	(pc) =	sbr.ind lr, $3  }
0x3a: {  	_ = 	snop  }
0x3b: {  	_ = 	snop  }
0x3c: {  	p2 =	seq.s32 s10, $0x1;
	s10 =	sld [smem:$0x3FB9]  }
0x3d: {  	_ =	shalt  }
0x3e: {  	_ =	shalt  }
0x3f: {  	_ =	shalt  }
0x40: {  	_ =	shalt  }
0x41: {  	_ =	shalt  }
0x42: {  	_ =	shalt  }
0x43: {  	_ =	shalt  }
0x44: {  	_ =	shalt  }
0x45: {  	_ =	shalt  }
0x46: {  	_ =	shalt  }
0x47: {  	_ =	shalt  }
0x48: {  	_ =	shalt  }
0x49: {  	_ =	shalt  }
0x4a: {  	_ =	shalt  }
0x4b: {  	_ =	shalt  }
0x4c: {  	_ =	shalt  }
0x4d: {  	_ =	shalt  }
0x4e: {  	_ =	shalt  }
0x4f: {  	_ =	shalt  }
0x50: {  	_ =	shalt  }
0x51: {  	_ =	shalt  }
0x52: {  	_ =	shalt  }
0x53: {  	_ =	shalt  }
0x54: {  	_ =	shalt  }
0x55: {  	_ =	shalt  }
0x56: {  	_ =	shalt  }
0x57: {  	_ =	shalt  }
0x58: {  	_ =	shalt  }
0x59: {  	_ =	shalt  }
0x5a: {  	_ =	shalt  }
0x5b: {  	_ =	shalt  }
0x5c: {  	_ =	shalt  }
0x5d: {  	_ =	shalt  }
0x5e: {  	_ =	shalt  }
0x5f: {  	_ =	shalt  }
0x60: {  	_ =	shalt  }
0x61: {  	_ =	shalt  }
0x62: {  	_ =	shalt  }
0x63: {  	_ =	shalt  }
0x64: {  	_ =	shalt  }
0x65: {  	_ =	shalt  }
0x66: {  	_ =	shalt  }
0x67: {  	_ =	shalt  }
0x68: {  	_ =	shalt  }
0x69: {  	_ =	shalt  }
0x6a: {  	_ =	shalt  }
0x6b: {  	_ =	shalt  }
0x6c: {  	_ =	shalt  }
0x6d: {  	_ =	shalt  }
0x6e: {  	_ =	shalt  }
0x6f: {  	_ =	shalt  }
0x70: {  	_ =	shalt  }
0x71: {  	_ =	shalt  }
0x72: {  	_ =	shalt  }
0x73: {  	_ =	shalt  }
0x74: {  	_ =	shalt  }
0x75: {  	_ =	shalt  }
0x76: {  	_ =	shalt  }
0x77: {  	_ =	shalt  }
0x78: {  	_ =	shalt  }
0x79: {  	_ =	shalt  }
0x7a: {  	_ =	shalt  }
0x7b: {  	_ =	shalt  }
0x7c: {  	_ =	shalt  }
0x7d: {  	_ =	shalt  }
0x7e: {  	_ =	shalt  }
0x7f: {  	_ =	shalt  }
0x80: {  	_ =	shalt  }
0x81: {  	_ =	shalt  }
0x82: {  	_ =	shalt  }
0x83: {  	_ =	shalt  }
0x84: {  	_ =	shalt  }
0x85: {  	_ =	shalt  }
0x86: {  	_ =	shalt  }
0x87: {  	_ =	shalt  }
.Lfunc_end0:
.L_simem_size_0:
called_computation_lowered:
.L_overlay_start_0:
0x88: {  	s2 =	sld [smem:$0x3FD9]  }
0x89: {  	s3 =	sld [smem:$0x3FFE];
	_ =	sdelay $0x1  }
0x8a: {  	s1 =	srdreg.scid  }
0x8b: {  	s0 =	sand.u32 $0x1, s1  }
0x8c: {  	s17 =	sshll.u32 s0, $0xA;
	s2 =	sadd.s32 s3, s2  }
0x8d: {  	s2 =	sadd.s32 s2, s17  }
0x8e: {  	[smem:$0x3FC5] =	sst s2  }
0x8f: {  	_ = 	snop  }
0x90: {  	s2 =	sld [smem:$0x3FC9]  }
0x91: {  	s18 =	sld [smem:$0x3FC8]  }
0x92: {  	s4 =	sld [smem:$0x3FC7]  }
0x93: {  	s5 =	sld [smem:$0x3FD0];
	(tm) =	ssettm $0x1  }
0x94: {  	s6 =	sld [smem:$0x3FFB];
	_ =	sdelay $0x3  }
0x95: {  	_ =	strace s6  }
0x96: {  	s6 =	sld [smem:$0x3FFC];
	_ =	sdelay $0x3  }
0x97: {  	_ =	strace s6  }
0x98: {  	s6 =	sld [smem:$0x3FFD];
	_ =	sdelay $0x3  }
0x99: {  	_ =	strace s6  }
0x9a: {  	_ =	strace $0x8FFFFFFF  }
0x9b: {  	s19 =	sld [smem:$0x3FDB];
	_ =	sdelay $0x1  }
0x9c: {  	s7 =	simm.s32 $_scs_section_size  }
0x9d: {  	s8 =	simm.s32 $_size__tile_overlayer_lowered;
	s9 =	simm.s32 $_tile_overlayer_lowered  }
0x9e: {  	s22 =	simm.s32 $0x1BFF;
	s21 =	sshll.u32 s9, $0x1;
	s6 =	sadd.s32 s7, s19  }
0x9f: {  	s10 =	simm.s32 $0x0;
	s20 =	sshll.u32 s8, $0x1;
	s8 =	sadd.s32 s21, s6  }
0xa0: {  	[timem:s10], [sflag:s22] =	dma.local [hbm:s8], s20  }
0xa1: {  	_ =	swait.ge [sflag:s22], s20  }
0xa2: {  	s7 =	ssub.s32 $0x0, s20;
	[sflag:s22] =	ssyncset.done $0x0  }
0xa3: {  	[sflag:s22] =	ssyncadd.s32 s7;
	_ =	sdelay $0x1  }
0xa4: {  	s23 =	simm.s32 $0x1B8B  }
0xa5: {  	_ =	swait.ge [sflag:s23], $0x1  }
0xa6: {  	[sflag:s23] =	ssyncset.done $0x0  }
0xa7: {  	s25 =	simm.s32 $0x1B8E;
	s24 =	sld [smem:$0x3FFE];
	[sflag:s23] =	ssyncadd.s32 $0xFFFFFFFF  }
0xa8: {  	s26 =	simm.s32 $execute0_lowered;
	[smem:$0x3FD2] =	sst s25  }
0xa9: {  	s8 =	sshll.u32 s26, $0x1;
	_ =	strace $0x80000046;
	[dreg:$0x1] =	wrdreg $0xFFFFFFFF  }
0xaa: {  	s28 =	simm.s32 $_size_execute0_lowered;
	s6 =	sadd.s32 s6, s8;
	[dreg:$0x0] =	wrdreg $0x0  }
0xab: {  	s8 =	sshll.u32 s28, $0x1;
	[dreg:$0x2] =	wrdreg s6  }
0xac: {  	[dreg:$0x3] =	wrdreg s8  }
0xad: {  	[dreg:$0x4] =	wrdreg $0xC0  }
0xae: {  	_ =	task [dreg:s10], $0x5FFFF  }
0xaf: {  	[dreg:$0x1] =	wrdreg $0xFFFFFFFF  }
0xb0: {  	[dreg:$0x0] =	wrdreg $0x60  }
0xb1: {  	[dreg:$0x2] =	wrdreg s2  }
0xb2: {  	[dreg:$0x3] =	wrdreg s18  }
0xb3: {  	[dreg:$0x4] =	wrdreg s4  }
0xb4: {  	[dreg:$0x5] =	wrdreg s24  }
0xb5: {  	[dreg:$0x6] =	wrdreg s5  }
0xb6: {  	[dreg:$0x7] =	wrdreg $0x9  }
0xb7: {  	_ =	task.clear_ibuf [dreg:s10], $0x8FFFF;
	_ =	strace $0x90000046  }
0xb8: {  	s29 =	simm.s32 $0x9;
	_ =	strace $0x80000048  }
0xb9: {  	_ =	swait.ge [sflag:s29], $0x1  }
0xba: {  	[sflag:s29] =	ssyncadd.s32 $0xFFFFFFFF  }
0xbb: {  	_ =	strace $0x90000048  }
0xbc: {  	_ =	sfence  }
0xbd: {  	s30 =	sld [smem:$0x0];
	_ =	sdelay $0x2  }
0xbe: {  	s31 =	sshll.u32 s1, $0xD;
	s1 =	sshrl.u32 s1, $0x2  }
0xbf: {  	s3 =	sand.u32 $0x4000, s31;
	s1 =	sadd.s32 s1, s30  }
0xc0: {  	s0 =	sor.u32 s3, s0;
	s1 =	sshll.u32 s1, $0x11  }
0xc1: {  	s0 =	sor.u32 s1, s0  }
0xc2: {  	s0 =	sadd.s32 $0x8F2B, s0  }
0xc3: {  	[sflag:s0] =	ssyncadd.remote.s32 $0x1  }
0xc4: {  	_ =	sfence.sel $0xFFFF  }
0xc5: {  	[dreg:$0x0] =	wrdreg $0xFFFFFFFF;
	(pc) =	sbr.abs _section_cstart, $3  }
0xc6: {  	[dreg:$0x1] =	wrdreg $0xFFFFFFFF  }
0xc7: {  	_ =	task.clear_ibuf [dreg:s10], $0x2FFFF;
	_ =	strace $0x9FFFFFFF  }
0xc8: {  	(tm) =	ssettm $0x7FFFFFFF  }
0xc9: {  	_ =	shalt  }
tec
execute0_lowered:
.L_overlay_start_1:
0x0: {  	(tag) =	ssettag $0x1  }
0x1: {  	s14 =	rddreg [dreg:$0x0]  }
0x2: {  	s1 =	rddreg [dreg:$0x1]  }
0x3: {  	s3 =	rddreg [dreg:$0x2]  }
0x4: {  	s4 =	rddreg [dreg:$0x3]  }
0x5: {  	s0 =	rddreg [dreg:$0x4]  }
0x6: {  	s2 =	simm.s32 $0x0;
	s5 =	srdreg.scid;
	s9 =	stileid.u32  }
0x7: {  	s28 =	simm.s32 $0x3;
	s30 =	simm.s32 $0x200;
	s29 =	simm.s32 $0xE800  }
0x8: {  	s31 =	simm.s32 $0x1A700;
	[smem:$0x7FF] =	sst s2;
	s5 =	sand.u32 $0x1, s5  }
0x9: {  	s8 =	sshll.u32 s9, $0x9;
	s9 =	sshrl.u32 s9, $0x1;
	s17 =	sadd.s32 $0x400, s4  }
0xa: {  	_ =	strace $0x80000047;
	s6 =	ssub.s32 $0x2, s5;
	s5 =	sshll.u32 s5, $0x8  }
0xb: {  	s8 =	sand.u32 $0x200, s8;
	s11 =	smul.u32 $0xC3800, s9;
	s26 =	sshll.u32 s9, $0xE  }
0xc: {  	s15 =	sshll.u32 s9, $0xA;
	s7 =	sshrl.u32 s6, $0x1;
	s5 =	sor.u32 s5, s8  }
0xd: {  	s19 =	sor.u32 $0x20000, s26;
	s21 =	sor.u32 $0x40000, s26;
	s6 =	ssub.s32 s6, s7  }
0xe: {  	s25 =	sor.u32 s11, s5;
	s8 =	sor.u32 $0x80, s5;
	s10 =	sor.u32 s26, s5  }
0xf: {  	s9 =	sor.u32 s15, s5;
	s20 =	sor.u32 s5, s19;
	s22 =	sor.u32 s5, s21  }
0x10: {  	s7 =	sor.u32 $0x60000, s26;
	s4 =	sshrl.u32 s25, $0x3;
	s12 =	sor.u32 s26, s8  }
0x11: {  	s13 =	sshrl.u32 s10, $0x3;
	s11 =	sor.u32 s11, s8;
	s9 =	sshrl.u32 s9, $0x3  }
0x12: {  	s5 =	sor.u32 s5, s7;
	s24 =	sor.u32 s19, s8;
	s25 =	sor.u32 s21, s8  }
0x13: {  	s26 =	sor.u32 s7, s8;
	s4 =	sadd.s32 s1, s4;
	s18 =	sshrl.u32 s12, $0x3  }
0x14: {  	s10 =	sadd.s32 s3, s13;
	s12 =	sadd.s32 $0x20, s14;
	s16 =	sshrl.u32 s11, $0x3  }
0x15: {  	s11 =	sadd.s32 s17, s9;
	s13 =	sadd.s32 s0, s13;
	s23 =	sshrl.u32 s5, $0x3  }
0x16: {  	s5 =	sshrl.u32 s26, $0x3;
	s26 =	simm.s32 $0x1;
	[dreg:$0x6] =	wrdreg s10  }
0x17: {  	s3 =	sadd.s32 s3, s18;
	s10 =	sadd.s32 $0x10, s14;
	[dreg:$0x9] =	wrdreg s12  }
0x18: {  	s14 =	sadd.s32 $0x30, s14;
	s12 =	sadd.s32 s1, s16;
	s1 =	sshrl.u32 s20, $0x3  }
0x19: {  	s16 =	sadd.s32 s0, s23;
	s18 =	sadd.s32 s0, s18;
	[dreg:$0x7] =	wrdreg s3  }
0x1a: {  	s21 =	sadd.s32 s0, s5;
	s23 =	simm.s32 $0x80;
	[dreg:$0x8] =	wrdreg s10  }
0x1b: {  	[dreg:$0xa] =	wrdreg s14;
	s10 =	sadd.s32 $0xC800, s4;
	s14 =	sadd.s32 s0, s1  }
0x1c: {  	s1 =	sshrl.u32 s22, $0x3;
	s3 =	sor.u32 s15, s8;
	s22 =	smax.u32 s6, $0x1  }
0x1d: {  	v0 =	vlaneseq.u32;
	v8 =	vimm.s32 $0x0;
	s15 =	sadd.s32 s0, s1;
	s3 =	sshrl.u32 s3, $0x3;
	s1 =	sshrl.u32 s24, $0x3  }
0x1e: {  	vm0 =	vcmask $0x300;
	v1 =	vor.u32 $0x10, v0;
	v2 =	vor.u32 $0x20, v0;
	s24 =	simm.s32 $0x400;
	s17 =	sadd.s32 s17, s3;
	s3 =	sshrl.u32 s25, $0x3  }
0x1f: {  	v3 =	vor.u32 $0x30, v0;
	v4 =	vor.u32 $0x40, v0;
	v5 =	vor.u32 $0x50, v0;
	s19 =	sadd.s32 s0, s1;
	s25 =	simm.s32 $0x2000;
	s1 =	simm.s32 $0x1B780  }
0x20: {  	v6 =	vor.u32 $0x60, v0;
	v7 =	vor.u32 $0x70, v0;
	v8 =	vsel vm0, $0x7, v8;
	s20 =	sadd.s32 s0, s3;
	s3 =	simm.s32 $0x2;
	s0 =	simm.s32 $0x0  }
.LBB2_1:
0x21: {  	[tilespmem:s25], [sflag:$0x1] =	stream.strided.gather [hbm4b:s4+s23], $0xC800, s24, s23, $0x38;
	[tilespmem:$0x1F780] =	vst v63  }
0x22: {  	s5 =	rddreg [dreg:$0x6];
	s6 =	simm.s32 $0x1A780  }
0x23: {  	[tilespmem:s6], [sflag:$0x3] =	stream.strided.gather [hbm4b:s5+s23], $0x800, s24, s23, $0x38;
	[tilespmem:$0x1F780] =	vst v63  }
0x24: {  	_ =	swait.ge [sflag:s28], $0x800  }
0x25: {  	[sflag:s28] =	ssyncset.done $0x0  }
0x26: {  	s9 =	simm.s32 $0x1AF80;
	s8 =	rddreg [dreg:$0x7];
	[sflag:s28] =	ssyncadd.s32 $0xFFFFF800  }
0x27: {  	[tilespmem:s9], [sflag:$0x3] =	stream.strided.gather [hbm4b:s8+s23], $0x800, s24, s23, $0x38;
	[tilespmem:$0x1F780] =	vst v63  }
0x28: {  	_ =	swait.ge [sflag:s28], $0x800  }
0x29: {  	[sflag:s28] =	ssyncset.done $0x0  }
0x2a: {  	[sflag:s28] =	ssyncadd.s32 $0xFFFFF800  }
0x2b: {  	s7 =	rddreg [dreg:$0x0]  }
0x2c: {  	[tilespmem:s2], [sflag:$0x3] =	stream.strided.gather [hbm4b:s7+s23], $0x800, s30, s23, $0x38;
	[tilespmem:$0x1F780] =	vst v63  }
0x2d: {  	_ =	swait.ge [sflag:s28], $0x800  }
0x2e: {  	[sflag:s28] =	ssyncset.done $0x0  }
0x2f: {  	s9 =	simm.s32 $0x800;
	s8 =	rddreg [dreg:$0x8];
	[sflag:s28] =	ssyncadd.s32 $0xFFFFF800  }
0x30: {  	[tilespmem:s9], [sflag:$0x3] =	stream.strided.gather [hbm4b:s8+s23], $0x800, s30, s23, $0x38;
	[tilespmem:$0x1F780] =	vst v63  }
0x31: {  	_ =	swait.ge [sflag:s28], $0x800  }
0x32: {  	[sflag:s28] =	ssyncset.done $0x0  }
0x33: {  	s7 =	simm.s32 $0x1000;
	s6 =	rddreg [dreg:$0x9];
	[sflag:s28] =	ssyncadd.s32 $0xFFFFF800  }
0x34: {  	[tilespmem:s7], [sflag:$0x3] =	stream.strided.gather [hbm4b:s6+s23], $0x800, s30, s23, $0x38;
	[tilespmem:$0x1F780] =	vst v63  }
0x35: {  	_ =	swait.ge [sflag:s28], $0x800  }
0x36: {  	[sflag:s28] =	ssyncset.done $0x0  }
0x37: {  	s9 =	simm.s32 $0x1800;
	s8 =	rddreg [dreg:$0xa];
	[sflag:s28] =	ssyncadd.s32 $0xFFFFF800  }
0x38: {  	[tilespmem:s9], [sflag:$0x3] =	stream.strided.gather [hbm4b:s8+s23], $0x800, s30, s23, $0x38;
	[tilespmem:$0x1F780] =	vst v63  }
0x39: {  	_ =	swait.ge [sflag:s28], $0x800  }
0x3a: {  	[sflag:s28] =	ssyncset.done $0x0  }
0x3b: {  	[sflag:s28] =	ssyncadd.s32 $0xFFFFF800  }
0x3c: {  	_ =	swait.ge [sflag:s26], $0xC800  }
0x3d: {  	[sflag:s26] =	ssyncset.done $0x0  }
0x3e: {  	[sflag:s26] =	ssyncadd.s32 $0xFFFF3800  }
0x3f: {  	[tilespmem:s29], [sflag:$0x1] =	stream.strided.gather [hbm4b:s10+s23], $0xBE80, s24, s23, $0x38;
	[tilespmem:$0x1F780] =	vst v63  }
0x40: {  	s5 =	simm.s32 $0x40  }
0x41: {  	[tilespmem:s31], [sflag:$0x1] =	stream.linear.gather [hbm4b:s11+s2], $0x80, $0x38;
	[tilespmem:$0x1F780] =	vst v63  }
0x42: {  	v13 =	vld [tilespmem:s5+$0x10]  }
0x43: {  	v18 =	vld [tilespmem:s5+$0xFFFFFFC0]  }
0x44: {  	v19 =	vld [tilespmem:s5+$0xFFFFFFE0]  }
0x45: {  	v17 =	vld [tilespmem:s5+$0xFFFFFFD0]  }
0x46: {  	v16 =	vld [tilespmem:s5+$0xFFFFFFF0]  }
0x47: {  	v10 =	vld [tilespmem:s5+$0x20];
	vm0 =	vlt.s32 v13, $0xC800  }
0x48: {  	v20 =	vld [tilespmem:s5+$0x0]  }
0x49: {  	s9 =	sand.u32 $0x780, s2;
	v22 =	vld [tilespmem:s5+$0x30]  }
0x4a: {  	v12 =	vld [tilespmem:s9+$0x1A790]  }
0x4b: {  	v9 =	vld [tilespmem:s9+$0x1A7A0];
	vm1 =	vlt.s32 v16, $0xC800  }
0x4c: {  	v14 =	vld [tilespmem:s9+$0x1A7C0]  }
0x4d: {  	v13 =	vld.idx.msk [tilespmem:v13+s25+$0x0], vm0;
	vm0 =	vlt.s32 v18, $0xC800  }
0x4e: {  	v23 =	vld [tilespmem:s9+$0x1A7B0];
	vm2 =	vlt.s32 v20, $0xC800  }
0x4f: {  	v11 =	vld [tilespmem:s9+$0x1A7E0];
	vm3 =	vlt.s32 v17, $0xC800  }
0x50: {  	v15 =	vld [tilespmem:s9+$0x1A780];
	vm4 =	vlt.s32 v22, $0xC800  }
0x51: {  	vm5 =	vlt.s32 v19, $0xC800;
	v24 =	vld.idx.msk [tilespmem:v16+s25+$0x0], vm1  }
0x52: {  	v16 =	vld [tilespmem:s9+$0x1A7F0]  }
0x53: {  	v18 =	vld.idx.msk [tilespmem:v18+s25+$0x0], vm0;
	vm0 =	vlt.s32 v10, $0xC800  }
0x54: {  	v21 =	vld.idx.msk [tilespmem:v20+s25+$0x0], vm2  }
0x55: {  	v20 =	vld.idx.msk [tilespmem:v17+s25+$0x0], vm3  }
0x56: {  	v17 =	vld.idx.msk [tilespmem:v22+s25+$0x0], vm4  }
0x57: {  	s7 =	simm.s32 $0x1B7C0;
	s6 =	simm.s32 $0x1B7C0;
	s8 =	simm.s32 $0x80;
	v19 =	vld.idx.msk [tilespmem:v19+s25+$0x0], vm5;
	v22 =	vadd.f32 v23, v24  }
.LBB2_2:
0x58: {  	p0 =	sne.s32 s8, $0x1F80;
	v23 =	vld [tilespmem:s9+$0x1A7D0];
	s7 =	sadd.s32 $0x80, s7;
	s5 =	sadd.s32 $0x80, s5  }
0x59: {  	v14 =	vadd.f32 v14, v21;
	s9 =	smov.u32 s8;
	s8 =	sadd.s32 $0x80, s8;
	v10 =	vld.idx.msk [tilespmem:v10+s25+$0x0], vm0  }
0x5a: {  	v12 =	vadd.f32 v12, v20;
	[tilespmem:s6+$0xFFFFFFF0] =	vst v22  }
0x5b: {  	[tilespmem:s6+$0x0] =	vst v14;
	v14 =	vadd.f32 v16, v17  }
0x5c: {  	v15 =	vadd.f32 v15, v18;
	[tilespmem:s6+$0xFFFFFFD0] =	vst v12  }
0x5d: {  	v9 =	vadd.f32 v9, v19;
	[tilespmem:s6+$0x30] =	vst v14  }
0x5e: {  	v12 =	vadd.f32 v23, v13;
	[tilespmem:s6+$0xFFFFFFC0] =	vst v15  }
0x5f: {  	[tilespmem:s6+$0xFFFFFFE0] =	vst v9;
	v9 =	vadd.f32 v11, v10  }
0x60: {  	[tilespmem:s6+$0x10] =	vst v12  }
0x61: {  	[tilespmem:s6+$0x20] =	vst v9;
	s6 =	smov.u32 s7  }
0x62: {  	v13 =	vld [tilespmem:s5+$0x10]  }
0x63: {  	v18 =	vld [tilespmem:s5+$0xFFFFFFC0]  }
0x64: {  	v19 =	vld [tilespmem:s5+$0xFFFFFFE0]  }
0x65: {  	v17 =	vld [tilespmem:s5+$0xFFFFFFD0]  }
0x66: {  	v16 =	vld [tilespmem:s5+$0xFFFFFFF0]  }
0x67: {  	v10 =	vld [tilespmem:s5+$0x20]  }
0x68: {  	v20 =	vld [tilespmem:s5+$0x0]  }
0x69: {  	s9 =	sand.u32 $0x780, s9;
	vm1 =	vlt.s32 v13, $0xC800;
	v22 =	vld [tilespmem:s5+$0x30]  }
0x6a: {  	vm2 =	vlt.s32 v18, $0xC800;
	v12 =	vld [tilespmem:s9+$0x1A790]  }
0x6b: {  	vm3 =	vlt.s32 v16, $0xC800;
	v9 =	vld [tilespmem:s9+$0x1A7A0]  }
0x6c: {  	vm4 =	vlt.s32 v19, $0xC800;
	vm0 =	vlt.s32 v10, $0xC800;
	v14 =	vld [tilespmem:s9+$0x1A7C0]  }
0x6d: {  	vm5 =	vlt.s32 v20, $0xC800;
	v23 =	vld [tilespmem:s9+$0x1A7B0]  }
0x6e: {  	vm6 =	vlt.s32 v17, $0xC800;
	v11 =	vld [tilespmem:s9+$0x1A7E0]  }
0x6f: {  	vm7 =	vlt.s32 v22, $0xC800;
	v13 =	vld.idx.msk [tilespmem:v13+s25+$0x0], vm1  }
0x70: {  	v15 =	vld [tilespmem:s9+$0x1A780]  }
0x71: {  	v24 =	vld.idx.msk [tilespmem:v16+s25+$0x0], vm3  }
0x72: {  	v16 =	vld [tilespmem:s9+$0x1A7F0]  }
.Ltmp0:
0x73: {  	v21 =	vld.idx.msk [tilespmem:v20+s25+$0x0], vm5;
	(pc) =	sbr.rel @p0 .LBB2_2-.Ltmp0, $4  }
0x74: {  	v20 =	vld.idx.msk [tilespmem:v17+s25+$0x0], vm6  }
0x75: {  	v17 =	vld.idx.msk [tilespmem:v22+s25+$0x0], vm7  }
0x76: {  	v18 =	vld.idx.msk [tilespmem:v18+s25+$0x0], vm2  }
0x77: {  	v22 =	vadd.f32 v23, v24;
	v19 =	vld.idx.msk [tilespmem:v19+s25+$0x0], vm4  }
0x78: {  	_ =	sdelay $0x3  }
0x79: {  	v23 =	vld [tilespmem:s9+$0x1A7D0];
	v14 =	vadd.f32 v14, v21  }
0x7a: {  	v10 =	vld.idx.msk [tilespmem:v10+s25+$0x0], vm0;
	v12 =	vadd.f32 v12, v20;
	[tilespmem:s6+$0xFFFFFFF0] =	vst v22  }
0x7b: {  	[tilespmem:s6+$0x0] =	vst v14;
	v14 =	vadd.f32 v16, v17  }
0x7c: {  	v15 =	vadd.f32 v15, v18;
	[tilespmem:s6+$0xFFFFFFD0] =	vst v12  }
0x7d: {  	v9 =	vadd.f32 v9, v19;
	[tilespmem:s6+$0x30] =	vst v14  }
0x7e: {  	[tilespmem:s6+$0xFFFFFFC0] =	vst v15;
	v12 =	vadd.f32 v23, v13  }
0x7f: {  	[tilespmem:s6+$0xFFFFFFE0] =	vst v9;
	v9 =	vadd.f32 v11, v10  }
0x80: {  	[tilespmem:s6+$0x10] =	vst v12  }
0x81: {  	[tilespmem:s6+$0x20] =	vst v9  }
0x82: {  	_ =	swait.ge [sflag:s26], $0xBE80  }
0x83: {  	[sflag:s26] =	ssyncset.done $0x0  }
0x84: {  	[sflag:s26] =	ssyncadd.s32 $0xFFFF4180  }
0x85: {  	_ =	swait.ge [sflag:s26], $0x80  }
0x86: {  	[sflag:s26] =	ssyncset.done $0x0  }
0x87: {  	[sflag:s26] =	ssyncadd.s32 $0xFFFFFF80  }
0x88: {  	[tilespmem:s25], [sflag:$0x1] =	stream.strided.gather [hbm4b:s12+s23], $0xC800, s24, s23, $0x38;
	[tilespmem:$0x1F780] =	vst v63  }
0x89: {  	v9 =	vld [tilespmem:$0x1A700]  }
0x8a: {  	v10 =	vld [tilespmem:$0x1A710]  }
0x8b: {  	v11 =	vld [tilespmem:$0x1A720]  }
0x8c: {  	v12 =	vld [tilespmem:$0x1A730]  }
0x8d: {  	v13 =	vld [tilespmem:$0x1A740]  }
0x8e: {  	[tilespmem:$0x1A620] =	vst v9;
	v9 =	vld [tilespmem:$0x1A750]  }
0x8f: {  	[tilespmem:$0x1A630] =	vst v10;
	v10 =	vld [tilespmem:$0x1A760]  }
0x90: {  	[tilespmem:$0x1A640] =	vst v11;
	v11 =	vld [tilespmem:$0x1A770]  }
0x91: {  	[tilespmem:$0x1A650] =	vst v12  }
0x92: {  	[tilespmem:$0x1A660] =	vst v13  }
0x93: {  	[tilespmem:$0x1A670] =	vst v9  }
0x94: {  	[tilespmem:$0x1A680] =	vst v10  }
0x95: {  	s5 =	simm.s32 $0x40;
	[tilespmem:$0x1A690] =	vst v11  }
0x96: {  	v11 =	vld [tilespmem:s5+$0xFFFFFFF0]  }
0x97: {  	v10 =	vld [tilespmem:s5+$0x10]  }
0x98: {  	v15 =	vld [tilespmem:s5+$0xFFFFFFE0]  }
0x99: {  	v13 =	vld [tilespmem:s5+$0x0]  }
0x9a: {  	s9 =	simm.s32 $0x0;
	v25 =	vld [tilespmem:s5+$0xFFFFFFD0]  }
0x9b: {  	s7 =	sand.u32 $0x780, s9;
	v32 =	vld [tilespmem:s5+$0xFFFFFFC0]  }
0x9c: {  	v9 =	vld [tilespmem:s7+$0x1A7D0]  }
0x9d: {  	v14 =	vmov s9;
	v12 =	vld [tilespmem:s7+$0x1A7C0]  }
0x9e: {  	v14 =	vshrl.u32 v14, $0x7;
	v18 =	vld [tilespmem:s7+$0x1A7A0]  }
0x9f: {  	v14 =	vshll.u32 v14, $0x7;
	v24 =	vld [tilespmem:s7+$0x1A790]  }
0xa0: {  	v30 =	vbroadcast v14, $0x0;
	v27 =	vld [tilespmem:s5+$0x20];
	vm0 =	vgt.s32 v32, $0xC7FF  }
0xa1: {  	v28 =	vld [tilespmem:s7+$0x1A780]  }
0xa2: {  	v21 =	vor.u32 v0, v30;
	v29 =	vld [tilespmem:s5+$0x30];
	vm1 =	vgt.s32 v25, $0xC7FF  }
0xa3: {  	v19 =	vor.u32 v1, v30;
	v20 =	vor.u32 v2, v30;
	v23 =	vld [tilespmem:s7+$0x1A7F0];
	vm2 =	vgt.s32 v15, $0xC7FF  }
0xa4: {  	v14 =	vor.u32 v4, v30;
	v17 =	vor.u32 v5, v30;
	v26 =	vld [tilespmem:s7+$0x1A7E0];
	vm5 =	vgt.s32 v11, $0xC7FF  }
0xa5: {  	v16 =	vor.u32 v6, v30;
	v22 =	vor.u32 v7, v30;
	v31 =	vld [tilespmem:s7+$0x1A7B0];
	vm3 =	vgt.s32 v13, $0xC7FF  }
0xa6: {  	s6 =	simm.s32 $0x80;
	v30 =	vor.u32 v3, v30;
	vm6 =	vgt.s32 v10, $0xC7FF;
	vm4 =	vgt.s32 v27, $0xC7FF;
	v32 =	vld.idx.msk [tilespmem:v32+s25+$0x0], vm0  }
.LBB2_4:
0xa7: {  	p0 =	sne.s32 s6, $0x1F80  }
0xa8: {  	vm7 =	vgt.s32 v29, $0xC7FF;
	v25 =	vld.idx.msk [tilespmem:v25+s25+$0x0], vm1;
	s5 =	sadd.s32 $0x80, s5;
	s7 =	smov.u32 s6;
	s6 =	sadd.s32 $0x80, s6  }
0xa9: {  	v15 =	vld.idx.msk [tilespmem:v15+s25+$0x0], vm2  }
0xaa: {  	v11 =	vld.idx.msk [tilespmem:v11+s25+$0x0], vm5  }
0xab: {  	v13 =	vld.idx.msk [tilespmem:v13+s25+$0x0], vm3  }
0xac: {  	v10 =	vld.idx.msk [tilespmem:v10+s25+$0x0], vm6  }
0xad: {  	v28 =	vadd.f32 v28, v32;
	v27 =	vld.idx.msk [tilespmem:v27+s25+$0x0], vm4  }
0xae: {  	v24 =	vadd.f32 v24, v25;
	v29 =	vld.idx.msk [tilespmem:v29+s25+$0x0], vm7  }
0xaf: {  	v15 =	vadd.f32 v18, v15;
	[tilespmem:v21+s1+$0x0] =	vst.idx.msk vm0, v28  }
0xb0: {  	v11 =	vadd.f32 v31, v11;
	[tilespmem:v19+s1+$0x0] =	vst.idx.msk vm1, v24  }
0xb1: {  	v12 =	vadd.f32 v12, v13;
	[tilespmem:v20+s1+$0x0] =	vst.idx.msk vm2, v15  }
0xb2: {  	v9 =	vadd.f32 v9, v10;
	[tilespmem:v30+s1+$0x0] =	vst.idx.msk vm5, v11  }
0xb3: {  	v10 =	vadd.f32 v26, v27;
	[tilespmem:v14+s1+$0x0] =	vst.idx.msk vm3, v12  }
0xb4: {  	[tilespmem:v17+s1+$0x0] =	vst.idx.msk vm6, v9;
	v9 =	vadd.f32 v23, v29  }
0xb5: {  	[tilespmem:v16+s1+$0x0] =	vst.idx.msk vm4, v10  }
0xb6: {  	[tilespmem:v22+s1+$0x0] =	vst.idx.msk vm7, v9  }
0xb7: {  	v9 =	vmov s7;
	v11 =	vld [tilespmem:s5+$0xFFFFFFF0]  }
0xb8: {  	v9 =	vshrl.u32 v9, $0x7;
	v10 =	vld [tilespmem:s5+$0x10]  }
0xb9: {  	s7 =	sand.u32 $0x780, s7;
	v9 =	vshll.u32 v9, $0x7;
	v15 =	vld [tilespmem:s5+$0xFFFFFFE0]  }
0xba: {  	v30 =	vbroadcast v9, $0x0;
	v13 =	vld [tilespmem:s5+$0x0]  }
0xbb: {  	v25 =	vld [tilespmem:s5+$0xFFFFFFD0]  }
0xbc: {  	v21 =	vor.u32 v0, v30;
	v32 =	vld [tilespmem:s5+$0xFFFFFFC0]  }
0xbd: {  	v19 =	vor.u32 v1, v30;
	v9 =	vld [tilespmem:s7+$0x1A7D0]  }
0xbe: {  	v20 =	vor.u32 v2, v30;
	v12 =	vld [tilespmem:s7+$0x1A7C0]  }
0xbf: {  	v18 =	vld [tilespmem:s7+$0x1A7A0]  }
0xc0: {  	v14 =	vor.u32 v4, v30;
	v24 =	vld [tilespmem:s7+$0x1A790]  }
0xc1: {  	v17 =	vor.u32 v5, v30;
	vm1 =	vgt.s32 v25, $0xC7FF;
	v27 =	vld [tilespmem:s5+$0x20];
	vm0 =	vgt.s32 v32, $0xC7FF  }
0xc2: {  	v16 =	vor.u32 v6, v30;
	v28 =	vld [tilespmem:s7+$0x1A780]  }
.Ltmp1:
0xc3: {  	v22 =	vor.u32 v7, v30;
	vm2 =	vgt.s32 v15, $0xC7FF;
	v29 =	vld [tilespmem:s5+$0x30];
	(pc) =	sbr.rel @p0 .LBB2_4-.Ltmp1, $4  }
0xc4: {  	vm5 =	vgt.s32 v11, $0xC7FF;
	v23 =	vld [tilespmem:s7+$0x1A7F0]  }
0xc5: {  	v30 =	vor.u32 v3, v30;
	vm3 =	vgt.s32 v13, $0xC7FF;
	v26 =	vld [tilespmem:s7+$0x1A7E0]  }
0xc6: {  	vm6 =	vgt.s32 v10, $0xC7FF;
	vm4 =	vgt.s32 v27, $0xC7FF;
	v31 =	vld [tilespmem:s7+$0x1A7B0]  }
0xc7: {  	v32 =	vld.idx.msk [tilespmem:v32+s25+$0x0], vm0  }
0xc8: {  	_ =	sdelay $0x4  }
0xc9: {  	vm7 =	vgt.s32 v29, $0xC7FF;
	v25 =	vld.idx.msk [tilespmem:v25+s25+$0x0], vm1  }
0xca: {  	v15 =	vld.idx.msk [tilespmem:v15+s25+$0x0], vm2  }
0xcb: {  	v11 =	vld.idx.msk [tilespmem:v11+s25+$0x0], vm5  }
0xcc: {  	v13 =	vld.idx.msk [tilespmem:v13+s25+$0x0], vm3  }
0xcd: {  	v10 =	vld.idx.msk [tilespmem:v10+s25+$0x0], vm6;
	v28 =	vadd.f32 v28, v32  }
0xce: {  	v27 =	vld.idx.msk [tilespmem:v27+s25+$0x0], vm4;
	v24 =	vadd.f32 v24, v25  }
0xcf: {  	v15 =	vadd.f32 v18, v15;
	v29 =	vld.idx.msk [tilespmem:v29+s25+$0x0], vm7;
	[tilespmem:v21+s1+$0x0] =	vst.idx.msk vm0, v28  }
0xd0: {  	v11 =	vadd.f32 v31, v11;
	[tilespmem:v19+s1+$0x0] =	vst.idx.msk vm1, v24  }
0xd1: {  	v12 =	vadd.f32 v12, v13;
	[tilespmem:v20+s1+$0x0] =	vst.idx.msk vm2, v15  }
0xd2: {  	v9 =	vadd.f32 v9, v10;
	[tilespmem:v30+s1+$0x0] =	vst.idx.msk vm5, v11  }
0xd3: {  	v10 =	vadd.f32 v26, v27;
	[tilespmem:v14+s1+$0x0] =	vst.idx.msk vm3, v12  }
0xd4: {  	[tilespmem:v17+s1+$0x0] =	vst.idx.msk vm6, v9;
	v9 =	vadd.f32 v23, v29  }
0xd5: {  	[tilespmem:v16+s1+$0x0] =	vst.idx.msk vm4, v10  }
0xd6: {  	[tilespmem:v22+s1+$0x0] =	vst.idx.msk vm7, v9  }
0xd7: {  	[hbm4b:s13+s23] =	stream.strided.scatter [tilespmem:s1], [sflag:$0x2], $0x800, s24, s23, $0x38;
	[tilespmem:$0x1F780] =	vst v63  }
0xd8: {  	s5 =	simm.s32 $0x1BF80  }
0xd9: {  	[hbm4b:s14+s23] =	stream.strided.scatter [tilespmem:s5], [sflag:$0x2], $0x800, s24, s23, $0x38;
	[tilespmem:$0x1F780] =	vst v63  }
0xda: {  	s7 =	simm.s32 $0x1C780  }
0xdb: {  	[hbm4b:s15+s23] =	stream.strided.scatter [tilespmem:s7], [sflag:$0x2], $0x800, s24, s23, $0x38;
	[tilespmem:$0x1F780] =	vst v63  }
0xdc: {  	s8 =	simm.s32 $0x1CF80  }
0xdd: {  	[hbm4b:s16+s23] =	stream.strided.scatter [tilespmem:s8], [sflag:$0x2], $0x800, s24, s23, $0x38;
	[tilespmem:$0x1F780] =	vst v63  }
0xde: {  	_ =	swait.ge [sflag:s26], $0xC800  }
0xdf: {  	[sflag:s26] =	ssyncset.done $0x0  }
0xe0: {  	s9 =	sadd.s32 $0xC800, s12;
	[sflag:s26] =	ssyncadd.s32 $0xFFFF3800  }
0xe1: {  	[tilespmem:s29], [sflag:$0x1] =	stream.strided.gather [hbm4b:s9+s23], $0xBE80, s24, s23, $0x38;
	[tilespmem:$0x1F780] =	vst v63  }
0xe2: {  	s6 =	simm.s32 $0x0;
	s5 =	simm.s32 $0x40  }
0xe3: {  	[tilespmem:s31], [sflag:$0x1] =	stream.linear.gather [hbm4b:s17+s6], $0x80, $0x38;
	[tilespmem:$0x1F780] =	vst v63  }
0xe4: {  	v13 =	vld [tilespmem:s5+$0x10]  }
0xe5: {  	v18 =	vld [tilespmem:s5+$0xFFFFFFC0]  }
0xe6: {  	v19 =	vld [tilespmem:s5+$0xFFFFFFE0]  }
0xe7: {  	v17 =	vld [tilespmem:s5+$0xFFFFFFD0]  }
0xe8: {  	v16 =	vld [tilespmem:s5+$0xFFFFFFF0]  }
0xe9: {  	v10 =	vld [tilespmem:s5+$0x20];
	vm0 =	vlt.s32 v13, $0xC800  }
0xea: {  	v20 =	vld [tilespmem:s5+$0x0]  }
0xeb: {  	s9 =	sand.u32 $0x780, s6;
	v22 =	vld [tilespmem:s5+$0x30]  }
0xec: {  	v12 =	vld [tilespmem:s9+$0x1AF90]  }
0xed: {  	v9 =	vld [tilespmem:s9+$0x1AFA0];
	vm1 =	vlt.s32 v16, $0xC800  }
0xee: {  	v14 =	vld [tilespmem:s9+$0x1AFC0]  }
0xef: {  	v13 =	vld.idx.msk [tilespmem:v13+s25+$0x0], vm0;
	vm0 =	vlt.s32 v18, $0xC800  }
0xf0: {  	v23 =	vld [tilespmem:s9+$0x1AFB0];
	vm2 =	vlt.s32 v20, $0xC800  }
0xf1: {  	v11 =	vld [tilespmem:s9+$0x1AFE0];
	vm3 =	vlt.s32 v17, $0xC800  }
0xf2: {  	v15 =	vld [tilespmem:s9+$0x1AF80];
	vm14 =	vlt.s32 v22, $0xC800  }
0xf3: {  	vm15 =	vlt.s32 v19, $0xC800;
	v63 =	vld.idx.msk [tilespmem:v16+s25+$0x0], vm1  }
0xf4: {  	v16 =	vld [tilespmem:s9+$0x1AFF0]  }
0xf5: {  	v18 =	vld.idx.msk [tilespmem:v18+s25+$0x0], vm0;
	vm0 =	vlt.s32 v10, $0xC800  }
0xf6: {  	v21 =	vld.idx.msk [tilespmem:v20+s25+$0x0], vm2  }
0xf7: {  	v20 =	vld.idx.msk [tilespmem:v17+s25+$0x0], vm3  }
0xf8: {  	v17 =	vld.idx.msk [tilespmem:v22+s25+$0x0], vm14  }
0xf9: {  	s7 =	simm.s32 $0x1D7F0;
	s8 =	simm.s32 $0x80;
	s6 =	simm.s32 $0x1D7F0;
	v19 =	vld.idx.msk [tilespmem:v19+s25+$0x0], vm15;
	v22 =	vadd.f32 v23, v63  }
.LBB2_6:
0xfa: {  	p0 =	sne.s32 s8, $0x1F80;
	v23 =	vld [tilespmem:s9+$0x1AFD0];
	s7 =	sadd.s32 $0x80, s7;
	s5 =	sadd.s32 $0x80, s5  }
0xfb: {  	v14 =	vadd.f32 v14, v21;
	s9 =	smov.u32 s8;
	s8 =	sadd.s32 $0x80, s8;
	v10 =	vld.idx.msk [tilespmem:v10+s25+$0x0], vm0  }
0xfc: {  	v12 =	vadd.f32 v12, v20;
	[tilespmem:s6+$0xFFFFFFC0] =	vst v22  }
0xfd: {  	[tilespmem:s6+$0xFFFFFFD0] =	vst v14;
	v14 =	vadd.f32 v16, v17  }
0xfe: {  	v15 =	vadd.f32 v15, v18;
	[tilespmem:s6+$0xFFFFFFA0] =	vst v12  }
0xff: {  	v9 =	vadd.f32 v9, v19;
	[tilespmem:s6+$0x0] =	vst v14  }
0x100: {  	v12 =	vadd.f32 v23, v13;
	[tilespmem:s6+$0xFFFFFF90] =	vst v15  }
0x101: {  	[tilespmem:s6+$0xFFFFFFB0] =	vst v9;
	v9 =	vadd.f32 v11, v10  }
0x102: {  	[tilespmem:s6+$0xFFFFFFE0] =	vst v12  }
0x103: {  	[tilespmem:s6+$0xFFFFFFF0] =	vst v9;
	s6 =	smov.u32 s7  }
0x104: {  	v13 =	vld [tilespmem:s5+$0x10]  }
0x105: {  	v18 =	vld [tilespmem:s5+$0xFFFFFFC0]  }
0x106: {  	v19 =	vld [tilespmem:s5+$0xFFFFFFE0]  }
0x107: {  	v17 =	vld [tilespmem:s5+$0xFFFFFFD0]  }
0x108: {  	v16 =	vld [tilespmem:s5+$0xFFFFFFF0]  }
0x109: {  	v10 =	vld [tilespmem:s5+$0x20]  }
0x10a: {  	v20 =	vld [tilespmem:s5+$0x0]  }
0x10b: {  	s9 =	sand.u32 $0x780, s9;
	vm1 =	vlt.s32 v13, $0xC800;
	v22 =	vld [tilespmem:s5+$0x30]  }
0x10c: {  	vm2 =	vlt.s32 v18, $0xC800;
	v12 =	vld [tilespmem:s9+$0x1AF90]  }
0x10d: {  	vm3 =	vlt.s32 v16, $0xC800;
	v9 =	vld [tilespmem:s9+$0x1AFA0]  }
0x10e: {  	vm4 =	vlt.s32 v19, $0xC800;
	vm0 =	vlt.s32 v10, $0xC800;
	v14 =	vld [tilespmem:s9+$0x1AFC0]  }
0x10f: {  	vm5 =	vlt.s32 v20, $0xC800;
	v23 =	vld [tilespmem:s9+$0x1AFB0]  }
0x110: {  	vm6 =	vlt.s32 v17, $0xC800;
	v11 =	vld [tilespmem:s9+$0x1AFE0]  }
0x111: {  	vm7 =	vlt.s32 v22, $0xC800;
	v13 =	vld.idx.msk [tilespmem:v13+s25+$0x0], vm1  }
0x112: {  	v15 =	vld [tilespmem:s9+$0x1AF80]  }
0x113: {  	v24 =	vld.idx.msk [tilespmem:v16+s25+$0x0], vm3  }
0x114: {  	v16 =	vld [tilespmem:s9+$0x1AFF0]  }
.Ltmp2:
0x115: {  	v21 =	vld.idx.msk [tilespmem:v20+s25+$0x0], vm5;
	(pc) =	sbr.rel @p0 .LBB2_6-.Ltmp2, $4  }
0x116: {  	v20 =	vld.idx.msk [tilespmem:v17+s25+$0x0], vm6  }
0x117: {  	v17 =	vld.idx.msk [tilespmem:v22+s25+$0x0], vm7  }
0x118: {  	v18 =	vld.idx.msk [tilespmem:v18+s25+$0x0], vm2  }
0x119: {  	v22 =	vadd.f32 v23, v24;
	v19 =	vld.idx.msk [tilespmem:v19+s25+$0x0], vm4  }
0x11a: {  	_ =	sdelay $0x3  }
0x11b: {  	v23 =	vld [tilespmem:s9+$0x1AFD0];
	v14 =	vadd.f32 v14, v21  }
0x11c: {  	v10 =	vld.idx.msk [tilespmem:v10+s25+$0x0], vm0;
	v12 =	vadd.f32 v12, v20;
	[tilespmem:s6+$0xFFFFFFC0] =	vst v22  }
0x11d: {  	[tilespmem:s6+$0xFFFFFFD0] =	vst v14;
	v14 =	vadd.f32 v16, v17  }
0x11e: {  	v15 =	vadd.f32 v15, v18;
	[tilespmem:s6+$0xFFFFFFA0] =	vst v12  }
0x11f: {  	v9 =	vadd.f32 v9, v19;
	[tilespmem:s6+$0x0] =	vst v14  }
0x120: {  	[tilespmem:s6+$0xFFFFFF90] =	vst v15;
	v12 =	vadd.f32 v23, v13  }
0x121: {  	[tilespmem:s6+$0xFFFFFFB0] =	vst v9;
	v9 =	vadd.f32 v11, v10  }
0x122: {  	[tilespmem:s6+$0xFFFFFFE0] =	vst v12  }
0x123: {  	[tilespmem:s6+$0xFFFFFFF0] =	vst v9  }
0x124: {  	_ =	swait.ge [sflag:s26], $0xBE80  }
0x125: {  	[sflag:s26] =	ssyncset.done $0x0  }
0x126: {  	[sflag:s26] =	ssyncadd.s32 $0xFFFF4180  }
0x127: {  	_ =	swait.ge [sflag:s26], $0x80  }
0x128: {  	[sflag:s26] =	ssyncset.done $0x0  }
0x129: {  	[sflag:s26] =	ssyncadd.s32 $0xFFFFFF80  }
0x12a: {  	v9 =	vld [tilespmem:$0x1A700]  }
0x12b: {  	v10 =	vld [tilespmem:$0x1A710]  }
0x12c: {  	v11 =	vld [tilespmem:$0x1A720]  }
0x12d: {  	v12 =	vld [tilespmem:$0x1A730]  }
0x12e: {  	v13 =	vld [tilespmem:$0x1A740]  }
0x12f: {  	[tilespmem:$0x1A620] =	vst v9;
	v9 =	vld [tilespmem:$0x1A750]  }
0x130: {  	[tilespmem:$0x1A630] =	vst v10;
	v10 =	vld [tilespmem:$0x1A760]  }
0x131: {  	[tilespmem:$0x1A640] =	vst v11;
	v11 =	vld [tilespmem:$0x1A770]  }
0x132: {  	[tilespmem:$0x1A650] =	vst v12  }
0x133: {  	[tilespmem:$0x1A660] =	vst v13  }
0x134: {  	[tilespmem:$0x1A670] =	vst v9  }
0x135: {  	[tilespmem:$0x1A680] =	vst v10  }
0x136: {  	s5 =	simm.s32 $0x40;
	[tilespmem:$0x1A690] =	vst v11  }
0x137: {  	v9 =	vld [tilespmem:s5+$0x10]  }
0x138: {  	v11 =	vld [tilespmem:s5+$0x0]  }
0x139: {  	v16 =	vld [tilespmem:s5+$0xFFFFFFF0]  }
0x13a: {  	v21 =	vld [tilespmem:s5+$0xFFFFFFE0]  }
0x13b: {  	s8 =	simm.s32 $0x0;
	v24 =	vld [tilespmem:s5+$0xFFFFFFD0]  }
0x13c: {  	s9 =	simm.s32 $0x2010;
	s8 =	sand.u32 $0x780, s8;
	v26 =	vld [tilespmem:s5+$0xFFFFFFC0]  }
0x13d: {  	v12 =	vmov s9;
	v18 =	vld [tilespmem:s8+$0x1AF80]  }
0x13e: {  	s7 =	simm.s32 $0x2000;
	s9 =	simm.s32 $0x2030;
	v12 =	vshrl.u32 v12, $0x7;
	v20 =	vld [tilespmem:s5+$0x20]  }
0x13f: {  	v28 =	vmov s9;
	v12 =	vshll.u32 v12, v8;
	v10 =	vmov s7;
	s7 =	simm.s32 $0x2020;
	v19 =	vld [tilespmem:s8+$0x1AF90]  }
0x140: {  	v12 =	vbroadcast v12, $0x0;
	v10 =	vshrl.u32 v10, $0x7;
	v13 =	vmov s7;
	v22 =	vld [tilespmem:s5+$0x30]  }
0x141: {  	v17 =	vld [tilespmem:s8+$0x1AFD0];
	v10 =	vshll.u32 v10, v8;
	v13 =	vshrl.u32 v13, $0x7;
	vm7 =	vgt.s32 v26, $0xC7FF  }
0x142: {  	v23 =	vld [tilespmem:s8+$0x1AFC0];
	v14 =	vbroadcast v10, $0x0;
	v10 =	vshll.u32 v13, v8;
	vm6 =	vgt.s32 v24, $0xC7FF  }
0x143: {  	s9 =	simm.s32 $0x2040;
	v28 =	vshrl.u32 v28, $0x7;
	v25 =	vld [tilespmem:s8+$0x1AFB0];
	v15 =	vbroadcast v10, $0x0;
	vm4 =	vgt.s32 v21, $0xC7FF  }
0x144: {  	v29 =	vmov s9;
	v27 =	vld [tilespmem:s8+$0x1AFA0];
	v13 =	vor.u32 v1, v12;
	vm3 =	vgt.s32 v16, $0xC7FF  }
0x145: {  	v12 =	vld [tilespmem:s8+$0x1AFE0];
	v14 =	vor.u32 v0, v14;
	v15 =	vor.u32 v2, v15;
	vm5 =	vgt.s32 v11, $0xC7FF  }
0x146: {  	s6 =	simm.s32 $0x2070;
	s7 =	simm.s32 $0x20F0;
	v10 =	vld [tilespmem:s8+$0x1AFF0];
	s8 =	simm.s32 $0x2050;
	vm0 =	vgt.s32 v20, $0xC7FF;
	vm2 =	vgt.s32 v9, $0xC7FF;
	vm1 =	vgt.s32 v22, $0xC7FF  }
.LBB2_8:
0x147: {  	p0 =	sne.s32 s7, $0x3FF0;
	v26 =	vld.idx.msk [tilespmem:v26+s25+$0x0], vm7;
	v28 =	vshll.u32 v28, v8;
	v29 =	vshrl.u32 v29, $0x7;
	v30 =	vmov s8;
	s8 =	sadd.s32 $0xFFFFFFF0, s6;
	s5 =	sadd.s32 $0x80, s5  }
0x148: {  	s9 =	smov.u32 s7;
	s7 =	sadd.s32 $0x80, s7;
	v24 =	vld.idx.msk [tilespmem:v24+s25+$0x0], vm6;
	v28 =	vbroadcast v28, $0x0;
	v29 =	vshll.u32 v29, v8;
	v30 =	vshrl.u32 v30, $0x7  }
0x149: {  	v31 =	vmov s8;
	v21 =	vld.idx.msk [tilespmem:v21+s25+$0x0], vm4;
	v29 =	vbroadcast v29, $0x0;
	v30 =	vshll.u32 v30, v8  }
0x14a: {  	v16 =	vld.idx.msk [tilespmem:v16+s25+$0x0], vm3;
	v28 =	vor.u32 v3, v28;
	v30 =	vbroadcast v30, $0x0  }
0x14b: {  	v31 =	vshrl.u32 v31, $0x7;
	v11 =	vld.idx.msk [tilespmem:v11+s25+$0x0], vm5;
	v29 =	vor.u32 v4, v29  }
0x14c: {  	v32 =	vmov s6;
	s6 =	smov.u32 s9;
	v9 =	vld.idx.msk [tilespmem:v9+s25+$0x0], vm2;
	v30 =	vor.u32 v5, v30  }
0x14d: {  	v18 =	vadd.f32 v18, v26;
	v26 =	vshll.u32 v31, v8;
	v31 =	vshrl.u32 v32, $0x7;
	v20 =	vld.idx.msk [tilespmem:v20+s25+$0x0], vm0  }
0x14e: {  	v19 =	vadd.f32 v19, v24;
	v24 =	vbroadcast v26, $0x0;
	v26 =	vshll.u32 v31, v8;
	v22 =	vld.idx.msk [tilespmem:v22+s25+$0x0], vm1  }
0x14f: {  	[tilespmem:v14+s1+$0x0] =	vst.idx.msk vm7, v18;
	v14 =	vadd.f32 v27, v21;
	v18 =	vbroadcast v26, $0x0  }
0x150: {  	[tilespmem:v13+s1+$0x0] =	vst.idx.msk vm6, v19;
	v13 =	vadd.f32 v25, v16;
	v16 =	vor.u32 v6, v24  }
0x151: {  	v11 =	vadd.f32 v23, v11;
	[tilespmem:v15+s1+$0x0] =	vst.idx.msk vm4, v14;
	v14 =	vor.u32 v7, v18  }
0x152: {  	v9 =	vadd.f32 v17, v9;
	[tilespmem:v28+s1+$0x0] =	vst.idx.msk vm3, v13  }
0x153: {  	[tilespmem:v29+s1+$0x0] =	vst.idx.msk vm5, v11;
	v11 =	vadd.f32 v12, v20  }
0x154: {  	[tilespmem:v30+s1+$0x0] =	vst.idx.msk vm2, v9;
	v9 =	vadd.f32 v10, v22  }
0x155: {  	s8 =	sadd.s32 $0xFFFFDF90, s6;
	s9 =	sadd.s32 $0xFFFFFF90, s6;
	[tilespmem:v16+s1+$0x0] =	vst.idx.msk vm0, v11  }
0x156: {  	s8 =	sand.u32 $0x780, s8;
	v10 =	vmov s9;
	s9 =	sadd.s32 $0xFFFFFFA0, s6;
	[tilespmem:v14+s1+$0x0] =	vst.idx.msk vm1, v9  }
0x157: {  	v10 =	vshrl.u32 v10, $0x7;
	v12 =	vmov s9;
	s9 =	sadd.s32 $0xFFFFFFB0, s6;
	v9 =	vld [tilespmem:s5+$0x10]  }
0x158: {  	v10 =	vshll.u32 v10, v8;
	v12 =	vshrl.u32 v12, $0x7;
	v11 =	vld [tilespmem:s5+$0x0]  }
0x159: {  	v10 =	vbroadcast v10, $0x0;
	v12 =	vshll.u32 v12, v8;
	v16 =	vld [tilespmem:s5+$0xFFFFFFF0]  }
0x15a: {  	v13 =	vmov s9;
	v12 =	vbroadcast v12, $0x0;
	v21 =	vld [tilespmem:s5+$0xFFFFFFE0]  }
0x15b: {  	v14 =	vor.u32 v0, v10;
	v10 =	vshrl.u32 v13, $0x7;
	v24 =	vld [tilespmem:s5+$0xFFFFFFD0]  }
0x15c: {  	v13 =	vor.u32 v1, v12;
	v10 =	vshll.u32 v10, v8;
	v26 =	vld [tilespmem:s5+$0xFFFFFFC0]  }
0x15d: {  	v10 =	vbroadcast v10, $0x0;
	v18 =	vld [tilespmem:s8+$0x1AF80]  }
0x15e: {  	v20 =	vld [tilespmem:s5+$0x20]  }
0x15f: {  	v15 =	vor.u32 v2, v10;
	v19 =	vld [tilespmem:s8+$0x1AF90]  }
0x160: {  	v22 =	vld [tilespmem:s5+$0x30]  }
0x161: {  	vm7 =	vgt.s32 v26, $0xC7FF;
	v10 =	vld [tilespmem:s8+$0x1AFF0]  }
.Ltmp3:
0x162: {  	vm6 =	vgt.s32 v24, $0xC7FF;
	v12 =	vld [tilespmem:s8+$0x1AFE0];
	(pc) =	sbr.rel @p0 .LBB2_8-.Ltmp3, $4  }
0x163: {  	vm4 =	vgt.s32 v21, $0xC7FF;
	vm0 =	vgt.s32 v20, $0xC7FF;
	v17 =	vld [tilespmem:s8+$0x1AFD0]  }
0x164: {  	s9 =	sadd.s32 $0xFFFFFFC0, s6;
	vm3 =	vgt.s32 v16, $0xC7FF;
	v23 =	vld [tilespmem:s8+$0x1AFC0]  }
0x165: {  	v28 =	vmov s9;
	s9 =	sadd.s32 $0xFFFFFFD0, s6;
	vm2 =	vgt.s32 v9, $0xC7FF;
	vm5 =	vgt.s32 v11, $0xC7FF;
	v25 =	vld [tilespmem:s8+$0x1AFB0]  }
0x166: {  	v28 =	vshrl.u32 v28, $0x7;
	v29 =	vmov s9;
	vm1 =	vgt.s32 v22, $0xC7FF;
	v27 =	vld [tilespmem:s8+$0x1AFA0];
	s8 =	sadd.s32 $0xFFFFFFE0, s6  }
0x167: {  	_ =	sdelay $0x4  }
0x168: {  	v26 =	vld.idx.msk [tilespmem:v26+s25+$0x0], vm7  }
0x169: {  	v28 =	vshll.u32 v28, v8;
	v29 =	vshrl.u32 v29, $0x7;
	v24 =	vld.idx.msk [tilespmem:v24+s25+$0x0], vm6  }
0x16a: {  	v30 =	vmov s8;
	v21 =	vld.idx.msk [tilespmem:v21+s25+$0x0], vm4;
	s5 =	sadd.s32 $0xFFFFFFF0, s6;
	v32 =	vmov s6;
	v28 =	vbroadcast v28, $0x0  }
0x16b: {  	v16 =	vld.idx.msk [tilespmem:v16+s25+$0x0], vm3;
	v29 =	vshll.u32 v29, v8;
	v30 =	vshrl.u32 v30, $0x7;
	v31 =	vmov s5  }
0x16c: {  	v11 =	vld.idx.msk [tilespmem:v11+s25+$0x0], vm5;
	v56 =	vshrl.u32 v32, $0x7;
	v29 =	vbroadcast v29, $0x0;
	v30 =	vshll.u32 v30, v8  }
0x16d: {  	v9 =	vld.idx.msk [tilespmem:v9+s25+$0x0], vm2;
	v31 =	vshrl.u32 v31, $0x7;
	v58 =	vshll.u32 v56, v8;
	v28 =	vor.u32 v3, v28  }
0x16e: {  	v20 =	vld.idx.msk [tilespmem:v20+s25+$0x0], vm0;
	v30 =	vbroadcast v30, $0x0;
	v55 =	vshll.u32 v31, v8;
	v18 =	vadd.f32 v18, v26  }
0x16f: {  	v22 =	vld.idx.msk [tilespmem:v22+s25+$0x0], vm1;
	v29 =	vor.u32 v4, v29;
	v57 =	vbroadcast v55, $0x0;
	v19 =	vadd.f32 v19, v24  }
0x170: {  	v60 =	vbroadcast v58, $0x0;
	v30 =	vor.u32 v5, v30;
	v59 =	vadd.f32 v27, v21;
	[tilespmem:v14+s1+$0x0] =	vst.idx.msk vm7, v18  }
0x171: {  	v61 =	vadd.f32 v25, v16;
	v62 =	vor.u32 v6, v57;
	[tilespmem:v13+s1+$0x0] =	vst.idx.msk vm6, v19  }
0x172: {  	v11 =	vadd.f32 v23, v11;
	v63 =	vor.u32 v7, v60;
	[tilespmem:v15+s1+$0x0] =	vst.idx.msk vm4, v59  }
0x173: {  	v9 =	vadd.f32 v17, v9;
	[tilespmem:v28+s1+$0x0] =	vst.idx.msk vm3, v61  }
0x174: {  	[tilespmem:v29+s1+$0x0] =	vst.idx.msk vm5, v11;
	v11 =	vadd.f32 v12, v20  }
0x175: {  	[tilespmem:v30+s1+$0x0] =	vst.idx.msk vm2, v9;
	v9 =	vadd.f32 v10, v22  }
0x176: {  	[tilespmem:v62+s1+$0x0] =	vst.idx.msk vm0, v11  }
0x177: {  	s6 =	simm.s32 $0x1D780;
	[tilespmem:v63+s1+$0x0] =	vst.idx.msk vm1, v9  }
0x178: {  	[hbm4b:s18+s23] =	stream.strided.scatter [tilespmem:s6], [sflag:$0x2], $0x800, s24, s23, $0x38;
	[tilespmem:$0x1F780] =	vst v63  }
0x179: {  	s7 =	simm.s32 $0x1DF80  }
0x17a: {  	[hbm4b:s19+s23] =	stream.strided.scatter [tilespmem:s7], [sflag:$0x2], $0x800, s24, s23, $0x38;
	[tilespmem:$0x1F780] =	vst v63  }
0x17b: {  	s8 =	simm.s32 $0x1E780  }
0x17c: {  	[hbm4b:s20+s23] =	stream.strided.scatter [tilespmem:s8], [sflag:$0x2], $0x800, s24, s23, $0x38;
	[tilespmem:$0x1F780] =	vst v63  }
0x17d: {  	s9 =	simm.s32 $0x1EF80  }
0x17e: {  	[hbm4b:s21+s23] =	stream.strided.scatter [tilespmem:s9], [sflag:$0x2], $0x800, s24, s23, $0x38;
	[tilespmem:$0x1F780] =	vst v63  }
0x17f: {  	_ =	swait.ge [sflag:s3], $0x800  }
0x180: {  	[sflag:s3] =	ssyncset.done $0x0  }
0x181: {  	[sflag:s3] =	ssyncadd.s32 $0xFFFFF800  }
0x182: {  	_ =	swait.ge [sflag:s3], $0x800  }
0x183: {  	[sflag:s3] =	ssyncset.done $0x0  }
0x184: {  	[sflag:s3] =	ssyncadd.s32 $0xFFFFF800  }
0x185: {  	_ =	swait.ge [sflag:s3], $0x800  }
0x186: {  	[sflag:s3] =	ssyncset.done $0x0  }
0x187: {  	[sflag:s3] =	ssyncadd.s32 $0xFFFFF800  }
0x188: {  	_ =	swait.ge [sflag:s3], $0x800  }
0x189: {  	[sflag:s3] =	ssyncset.done $0x0  }
0x18a: {  	[sflag:s3] =	ssyncadd.s32 $0xFFFFF800  }
0x18b: {  	_ =	swait.ge [sflag:s3], $0x800  }
0x18c: {  	[sflag:s3] =	ssyncset.done $0x0  }
0x18d: {  	[sflag:s3] =	ssyncadd.s32 $0xFFFFF800  }
0x18e: {  	_ =	swait.ge [sflag:s3], $0x800  }
0x18f: {  	[sflag:s3] =	ssyncset.done $0x0  }
0x190: {  	s0 =	sadd.s32 $0x1, s0;
	[sflag:s3] =	ssyncadd.s32 $0xFFFFF800  }
0x191: {  	p0 =	sne.s32 s0, s22;
	_ =	swait.ge [sflag:s3], $0x800  }
.Ltmp4:
0x192: {  	[sflag:s3] =	ssyncset.done $0x0;
	(pc) =	sbr.rel @p0 .LBB2_1-.Ltmp4, $4  }
0x193: {  	[sflag:s3] =	ssyncadd.s32 $0xFFFFF800  }
0x194: {  	_ =	swait.ge [sflag:s3], $0x800  }
0x195: {  	[sflag:s3] =	ssyncset.done $0x0  }
0x196: {  	[sflag:s3] =	ssyncadd.s32 $0xFFFFF800  }
0x197: {  	_ =	sfence.sel $0x180000  }
0x198: {  	[bflag:$0x0] =	sbarrier.arrive $0xFFFF  }
0x199: {  	_ =	strace $0x90000047  }
0x19a: {  	s0 =	stileid.u32;
	[bflag:$0x2] =	sbarrier.arrive $0xFFFF  }
0x19b: {  	p0 =	sne.s32 s0, $0x0;
	s0 =	rddreg [dreg:$0x5]  }
0x19c: {  	s0 =	sadd.s32 @!p0 $0x100000, s0  }
0x19d: {  	[sflag:s0] =	ssyncadd.tile.s32 @!p0 $0x1;
	_ =	shalt  }
.Lfunc_end2:
_tile_overlayer_lowered:
.L_overlay_start_2:
0x19e: {  	(tag) =	ssettag $0x2  }
0x19f: {  	s0 =	rddreg [dreg:$0x0];
	s2 =	stileid.u32  }
0x1a0: {  	s1 =	rddreg [dreg:$0x1];
	p0 =	sne.s32 s2, $0x0  }
0x1a1: {  	s3 =	rddreg [dreg:$0x2];
	[bflag:$0x3] =	sbarrier.arrive $0xFFFF;
	s2 =	simm.s32 @!p0 $0x1C03  }
0x1a2: {  	[timem:s3], [sflag:s2] =	dma.local @!p0 [hbm:s0], s1  }
0x1a3: {  	s0 =	simm.s32 @!p0 $0x3  }
0x1a4: {  	_ =	swait.ge @!p0 [sflag:s0], s1  }
0x1a5: {  	s1 =	ssub.s32 @!p0 $0x0, s1;
	[sflag:s0] =	ssyncset.done @!p0 $0x0  }
0x1a6: {  	[sflag:s0] =	ssyncadd.s32 @!p0 s1  }
0x1a7: {  	[bflag:$0x3] =	sbarrier.arrive $0xFFFF  }
0x1a8: {  	_ =	shalt  }

</sc_bundles>
